<compile_context>
chip_gen: v7x
topology: tpu7x:2x2x1
jax: 0.10.2.dev20260603
libtpu: 0.0.44.dev20260713+nightly
codegen_flags: <defaults>
</compile_context>

<pallas_src>
import functools

import jax
import jax.numpy as jnp
from jax import lax
from jax.experimental import pallas as pl
from jax.experimental.pallas import tpu as pltpu
from jax.experimental.pallas import tpu_sc as plsc

_LANES = 128


def _sc_gather_fn(BATCH, SEQ, V, D, NC, NS, BR):
    NW = NC * NS
    rows_per_w = BATCH // NW
    n_chunks = rows_per_w // BR
    mesh = plsc.VectorSubcoreMesh(core_axis_name="c", subcore_axis_name="s")

    @functools.partial(
        pl.kernel,
        out_type=jax.ShapeDtypeStruct((BATCH, SEQ, _LANES), jnp.float32),
        mesh=mesh,
        compiler_params=pltpu.CompilerParams(use_tc_tiling_on_sc=False),
        scratch_types=[
            pltpu.VMEM((BR, SEQ), jnp.int32),
            pltpu.VMEM((BR, SEQ), jnp.int32),
            pltpu.VMEM((BR, SEQ, D), jnp.float32),
            pltpu.VMEM((BR, SEQ, D), jnp.float32),
            pltpu.SemaphoreType.DMA,
            pltpu.SemaphoreType.DMA,
            pltpu.SemaphoreType.DMA,
            pltpu.SemaphoreType.DMA,
            pltpu.SemaphoreType.DMA,
            pltpu.SemaphoreType.DMA,
        ],
    )
    def k(idx_hbm, table_hbm, out_hbm, idx0, idx1, rows0, rows1,
          g0sem, g1sem, s0sem, s1sem, i0sem, i1sem):
        wid = lax.axis_index("s") * NC + lax.axis_index("c")
        base = wid * rows_per_w
        idx_bufs = (idx0, idx1)
        row_bufs = (rows0, rows1)
        gsems = (g0sem, g1sem)
        ssems = (s0sem, s1sem)
        isems = (i0sem, i1sem)

        def idx_slice(chunk):
            return idx_hbm.at[pl.ds(base + chunk * BR, BR)]

        def out_slice(chunk):
            return out_hbm.at[pl.ds(base + chunk * BR, BR), :, pl.ds(0, D)]

        def start_gathers(b):
            for r in range(BR):
                pltpu.async_copy(
                    table_hbm.at[idx_bufs[b].at[r]], row_bufs[b].at[r],
                    gsems[b])

        def wait_gathers(b):
            for r in range(BR):
                pltpu.make_async_copy(
                    table_hbm.at[idx_bufs[b].at[r]], row_bufs[b].at[r],
                    gsems[b]).wait()

        pltpu.sync_copy(idx_slice(0), idx0)
        start_gathers(0)
        pltpu.async_copy(idx_slice(1), idx1, i1sem)

        @pl.loop(0, n_chunks, step=2)
        def _outer(g):
            for b in range(2):
                o = 1 - b
                chunk = g + b

                @pl.when(chunk + 1 < n_chunks)
                def _():
                    pltpu.make_async_copy(
                        idx_slice(chunk + 1), idx_bufs[o], isems[o]).wait()

                    @pl.when(chunk >= 1)
                    def _():
                        pltpu.make_async_copy(
                            row_bufs[o], out_slice(chunk - 1),
                            ssems[o]).wait()

                    start_gathers(o)

                wait_gathers(b)
                pltpu.async_copy(row_bufs[b], out_slice(chunk), ssems[b])

                @pl.when(chunk + 2 < n_chunks)
                def _():
                    pltpu.async_copy(
                        idx_slice(chunk + 2), idx_bufs[b], isems[b])

        last = n_chunks - 1
        pltpu.make_async_copy(
            row_bufs[last % 2], out_slice(last), ssems[last % 2]).wait()

    return k


def _tc_transpose_seg_fn(BATCH, SEG, SEQ, D, BB, SP, seg, first):
    n_s = SEQ // SP
    n_b = SEG // BB
    seg_blocks = seg * (SEG // BB)

    def body(*refs):
        x_ref, ot_ref = refs[-2], refs[-1]
        x = x_ref[...]
        x2 = x.reshape(BB, SP * _LANES)
        y = jnp.swapaxes(x2, 0, 1)
        y3 = y.reshape(SP, _LANES, BB)
        ot_ref[...] = y3[:, :D, :]

    x_spec = pl.BlockSpec((BB, SP, _LANES), lambda sp, bb: (bb, sp, 0))
    out_spec = pl.BlockSpec(
        (SP, D, BB), lambda sp, bb: (sp, 0, seg_blocks + bb))
    out_shape = jax.ShapeDtypeStruct((SEQ, D, BATCH), jnp.float32)
    if first:
        return pl.pallas_call(
            body, grid=(n_s, n_b), in_specs=[x_spec],
            out_specs=out_spec, out_shape=out_shape)
    return pl.pallas_call(
        body, grid=(n_s, n_b),
        in_specs=[pl.BlockSpec(memory_space=pl.ANY), x_spec],
        out_specs=out_spec, out_shape=out_shape,
        input_output_aliases={0: 0})


def kernel(position_ids, position_embeddings):
    batch, seq = position_ids.shape
    V, D = position_embeddings.shape
    K = 2
    seg_rows = batch // K
    fn = _sc_gather_fn(seg_rows, seq, V, D, 2, 16, 4)
    xs = [
        fn(position_ids[k * seg_rows:(k + 1) * seg_rows],
           position_embeddings)
        for k in range(K)
    ]
    ot = _tc_transpose_seg_fn(
        batch, seg_rows, seq, D, 2048, 8, 0, True)(xs[0])
    for k in range(1, K):
        ot = _tc_transpose_seg_fn(
            batch, seg_rows, seq, D, 2048, 8, k, False)(ot, xs[k])
    return jnp.transpose(ot, (2, 0, 1))

# --- scband reference (transcript-rebuilt; emitter-appended) ---
"""Pipeline reference for scband-sinusoidal-position-embedding-62216896249984 (READ-ONLY COPY).

The authoritative reference and input builder live on the scoring server;
editing this copy changes nothing except your own understanding.
"""

import jax, jax.numpy as jnp
import numpy as np
import math

DIM = 64
MAX_POSITION = 32768
BATCH = 4096
SEQ_LEN = 200


def _make_position_embeddings(max_position, dim):
    position = jnp.arange(max_position, dtype=jnp.float32)[:, None]
    div_term = jnp.exp(jnp.arange(0, dim, 2, dtype=jnp.float32) * -(math.log(10000.0) / dim))
    emb = jnp.zeros((max_position, dim), dtype=jnp.float32)
    emb = emb.at[:, 0::2].set(jnp.sin(position * div_term))
    emb = emb.at[:, 1::2].set(jnp.cos(position * div_term))
    return emb


def setup_inputs(seed: int = 0) -> dict:
    key = jax.random.key(seed)
    position_ids = jax.random.randint(key, (BATCH, SEQ_LEN), 0, MAX_POSITION, dtype=jnp.int32)
    position_embeddings = _make_position_embeddings(MAX_POSITION, DIM)
    return {"position_ids": position_ids, "position_embeddings": position_embeddings}


def reference(position_ids, position_embeddings):
    # Faithful translation of: self.position_embeddings[position_ids]
    return jnp.take(position_embeddings, position_ids, axis=0)

if __name__ == "__main__":
    import jax
    _d = setup_inputs()
    print(jax.jit(kernel)(*tuple(_d.values())))

</pallas_src>

<mosaic_0001>
#map = affine_map<(d0, d1) -> (0, 0)>
#map1 = affine_map<(d0, d1) -> (0, 0, 0)>
module attributes {stable_mosaic.version = 14 : i64} {
  func.func @k(%arg0: i32, %arg1: i32, %arg2: memref<2048x200xi32, #tpu.memory_space<hbm>>, %arg3: memref<32768x64xf32, #tpu.memory_space<hbm>>, %arg4: memref<2048x200x128xf32, #tpu.memory_space<hbm>>, %arg5: memref<4x200xi32, #tpu.memory_space<vmem>>, %arg6: memref<4x200xi32, #tpu.memory_space<vmem>>, %arg7: memref<4x200x64xf32, #tpu.memory_space<vmem>>, %arg8: memref<4x200x64xf32, #tpu.memory_space<vmem>>, %arg9: memref<!tpu.dma_semaphore, #tpu.memory_space<semaphore_mem>>, %arg10: memref<!tpu.dma_semaphore, #tpu.memory_space<semaphore_mem>>, %arg11: memref<!tpu.dma_semaphore, #tpu.memory_space<semaphore_mem>>, %arg12: memref<!tpu.dma_semaphore, #tpu.memory_space<semaphore_mem>>, %arg13: memref<!tpu.dma_semaphore, #tpu.memory_space<semaphore_mem>>, %arg14: memref<!tpu.dma_semaphore, #tpu.memory_space<semaphore_mem>>) attributes {dimension_semantics = [#tpu.dimension_semantics<core_parallel>, #tpu.dimension_semantics<subcore_parallel>], iteration_bounds = array<i64: 2, 16>, scalar_prefetch = 0 : i64, scratch_operands = 10 : i64, tpu.core_type = #tpu.core_type<sc_vector_subcore>, window_params = [{transform_indices = #map}, {transform_indices = #map}, {transform_indices = #map1}]} {
    %mul3A = arith.constant 2 : i32
    %mul3A_0 = arith.muli %arg1, %mul3A : i32
    %add3A = arith.addi %mul3A_0, %arg0 : i32
    %mul3A_1 = arith.constant 64 : i32
    %mul3A_2 = arith.muli %add3A, %mul3A_1 : i32
    %add3A_3 = arith.constant 0 : i32
    %add3A_4 = arith.addi %mul3A_2, %add3A_3 : i32
    "tpu.region"() ({
      %run_scoped3A = tpu.sem_alloc : memref<!tpu.dma_semaphore, #tpu.memory_space<semaphore_mem>>
      %dma_start3A_69 = arith.constant 0 : i32
      %dma_start3A_70 = tpu.memref_slice %arg2[%add3A_4, %dma_start3A_69] : memref<2048x200xi32, #tpu.memory_space<hbm>> -> memref<4x200xi32, #tpu.memory_space<hbm>>
      %dma_start3A_71 = arith.constant 0 : i32
      %dma_start3A_72 = tpu.memref_slice %arg2[%add3A_4, %dma_start3A_71] : memref<2048x200xi32, #tpu.memory_space<hbm>> -> memref<4x200xi32, #tpu.memory_space<hbm>>
      tpu.enqueue_dma source(%dma_start3A_72 : memref<4x200xi32, #tpu.memory_space<hbm>>) target(%arg5 : memref<4x200xi32, #tpu.memory_space<vmem>>) target_semaphore(%run_scoped3A : memref<!tpu.dma_semaphore, #tpu.memory_space<semaphore_mem>>)
      %dma_wait3A_73 = arith.constant 0 : i32
      %dma_wait3A_74 = tpu.memref_slice %arg2[%add3A_4, %dma_wait3A_73] : memref<2048x200xi32, #tpu.memory_space<hbm>> -> memref<4x200xi32, #tpu.memory_space<hbm>>
      %dma_wait3A_75 = arith.constant 0 : i32
      %dma_wait3A_76 = tpu.memref_slice %arg2[%add3A_4, %dma_wait3A_75] : memref<2048x200xi32, #tpu.memory_space<hbm>> -> memref<4x200xi32, #tpu.memory_space<hbm>>
      tpu.wait_dma2 semaphore(%run_scoped3A : memref<!tpu.dma_semaphore, #tpu.memory_space<semaphore_mem>>) src(%dma_wait3A_76 : memref<4x200xi32, #tpu.memory_space<hbm>>) dst(%arg5 : memref<4x200xi32, #tpu.memory_space<vmem>>)
      tpu.yield
    }) : () -> ()
    %dma_start3A = arith.constant 0 : i32
    %dma_start3A_5 = arith.constant 0 : i32
    %dma_start3A_6 = arith.constant 0 : i32
    %dma_start3A_7 = arith.constant 0 : i32
    %dma_start3A_8 = tpu.memref_slice %arg7[%dma_start3A_5, %dma_start3A_6, %dma_start3A_7] : memref<4x200x64xf32, #tpu.memory_space<vmem>> -> memref<1x200x64xf32, #tpu.memory_space<vmem>>
    %dma_start3A_9 = tpu.memref_squeeze %dma_start3A_8 : memref<1x200x64xf32, #tpu.memory_space<vmem>> -> memref<200x64xf32, #tpu.memory_space<vmem>>
    %dma_start3A_10 = arith.constant 0 : i32
    %dma_start3A_11 = tpu.memref_slice %arg5[%dma_start3A, %dma_start3A_10] : memref<4x200xi32, #tpu.memory_space<vmem>> -> memref<1x200xi32, #tpu.memory_space<vmem>>
    %dma_start3A_12 = tpu.memref_squeeze %dma_start3A_11 : memref<1x200xi32, #tpu.memory_space<vmem>> -> memref<200xi32, #tpu.memory_space<vmem>>
    %dma_start3A_13 = arith.constant 0 : i32
    %dma_start3A_14 = arith.constant 0 : i32
    %dma_start3A_15 = tpu.memref_slice %arg3[%dma_start3A_13, %dma_start3A_14] : memref<32768x64xf32, #tpu.memory_space<hbm>> -> memref<32768x64xf32, #tpu.memory_space<hbm>>
    tpu.enqueue_indirect_dma source(%dma_start3A_15 : memref<32768x64xf32, #tpu.memory_space<hbm>>) target(%dma_start3A_9 : memref<200x64xf32, #tpu.memory_space<vmem>>) offsets(%dma_start3A_12 : memref<200xi32, #tpu.memory_space<vmem>>) semaphore(%arg9 : memref<!tpu.dma_semaphore, #tpu.memory_space<semaphore_mem>>)
    %dma_start3A_16 = arith.constant 1 : i32
    %dma_start3A_17 = arith.constant 1 : i32
    %dma_start3A_18 = arith.constant 0 : i32
    %dma_start3A_19 = arith.constant 0 : i32
    %dma_start3A_20 = tpu.memref_slice %arg7[%dma_start3A_17, %dma_start3A_18, %dma_start3A_19] : memref<4x200x64xf32, #tpu.memory_space<vmem>> -> memref<1x200x64xf32, #tpu.memory_space<vmem>>
    %dma_start3A_21 = tpu.memref_squeeze %dma_start3A_20 : memref<1x200x64xf32, #tpu.memory_space<vmem>> -> memref<200x64xf32, #tpu.memory_space<vmem>>
    %dma_start3A_22 = arith.constant 0 : i32
    %dma_start3A_23 = tpu.memref_slice %arg5[%dma_start3A_16, %dma_start3A_22] : memref<4x200xi32, #tpu.memory_space<vmem>> -> memref<1x200xi32, #tpu.memory_space<vmem>>
    %dma_start3A_24 = tpu.memref_squeeze %dma_start3A_23 : memref<1x200xi32, #tpu.memory_space<vmem>> -> memref<200xi32, #tpu.memory_space<vmem>>
    %dma_start3A_25 = arith.constant 0 : i32
    %dma_start3A_26 = arith.constant 0 : i32
    %dma_start3A_27 = tpu.memref_slice %arg3[%dma_start3A_25, %dma_start3A_26] : memref<32768x64xf32, #tpu.memory_space<hbm>> -> memref<32768x64xf32, #tpu.memory_space<hbm>>
    tpu.enqueue_indirect_dma source(%dma_start3A_27 : memref<32768x64xf32, #tpu.memory_space<hbm>>) target(%dma_start3A_21 : memref<200x64xf32, #tpu.memory_space<vmem>>) offsets(%dma_start3A_24 : memref<200xi32, #tpu.memory_space<vmem>>) semaphore(%arg9 : memref<!tpu.dma_semaphore, #tpu.memory_space<semaphore_mem>>)
    %dma_start3A_28 = arith.constant 2 : i32
    %dma_start3A_29 = arith.constant 2 : i32
    %dma_start3A_30 = arith.constant 0 : i32
    %dma_start3A_31 = arith.constant 0 : i32
    %dma_start3A_32 = tpu.memref_slice %arg7[%dma_start3A_29, %dma_start3A_30, %dma_start3A_31] : memref<4x200x64xf32, #tpu.memory_space<vmem>> -> memref<1x200x64xf32, #tpu.memory_space<vmem>>
    %dma_start3A_33 = tpu.memref_squeeze %dma_start3A_32 : memref<1x200x64xf32, #tpu.memory_space<vmem>> -> memref<200x64xf32, #tpu.memory_space<vmem>>
    %dma_start3A_34 = arith.constant 0 : i32
    %dma_start3A_35 = tpu.memref_slice %arg5[%dma_start3A_28, %dma_start3A_34] : memref<4x200xi32, #tpu.memory_space<vmem>> -> memref<1x200xi32, #tpu.memory_space<vmem>>
    %dma_start3A_36 = tpu.memref_squeeze %dma_start3A_35 : memref<1x200xi32, #tpu.memory_space<vmem>> -> memref<200xi32, #tpu.memory_space<vmem>>
    %dma_start3A_37 = arith.constant 0 : i32
    %dma_start3A_38 = arith.constant 0 : i32
    %dma_start3A_39 = tpu.memref_slice %arg3[%dma_start3A_37, %dma_start3A_38] : memref<32768x64xf32, #tpu.memory_space<hbm>> -> memref<32768x64xf32, #tpu.memory_space<hbm>>
    tpu.enqueue_indirect_dma source(%dma_start3A_39 : memref<32768x64xf32, #tpu.memory_space<hbm>>) target(%dma_start3A_33 : memref<200x64xf32, #tpu.memory_space<vmem>>) offsets(%dma_start3A_36 : memref<200xi32, #tpu.memory_space<vmem>>) semaphore(%arg9 : memref<!tpu.dma_semaphore, #tpu.memory_space<semaphore_mem>>)
    %dma_start3A_40 = arith.constant 3 : i32
    %dma_start3A_41 = arith.constant 3 : i32
    %dma_start3A_42 = arith.constant 0 : i32
    %dma_start3A_43 = arith.constant 0 : i32
    %dma_start3A_44 = tpu.memref_slice %arg7[%dma_start3A_41, %dma_start3A_42, %dma_start3A_43] : memref<4x200x64xf32, #tpu.memory_space<vmem>> -> memref<1x200x64xf32, #tpu.memory_space<vmem>>
    %dma_start3A_45 = tpu.memref_squeeze %dma_start3A_44 : memref<1x200x64xf32, #tpu.memory_space<vmem>> -> memref<200x64xf32, #tpu.memory_space<vmem>>
    %dma_start3A_46 = arith.constant 0 : i32
    %dma_start3A_47 = tpu.memref_slice %arg5[%dma_start3A_40, %dma_start3A_46] : memref<4x200xi32, #tpu.memory_space<vmem>> -> memref<1x200xi32, #tpu.memory_space<vmem>>
    %dma_start3A_48 = tpu.memref_squeeze %dma_start3A_47 : memref<1x200xi32, #tpu.memory_space<vmem>> -> memref<200xi32, #tpu.memory_space<vmem>>
    %dma_start3A_49 = arith.constant 0 : i32
    %dma_start3A_50 = arith.constant 0 : i32
    %dma_start3A_51 = tpu.memref_slice %arg3[%dma_start3A_49, %dma_start3A_50] : memref<32768x64xf32, #tpu.memory_space<hbm>> -> memref<32768x64xf32, #tpu.memory_space<hbm>>
    tpu.enqueue_indirect_dma source(%dma_start3A_51 : memref<32768x64xf32, #tpu.memory_space<hbm>>) target(%dma_start3A_45 : memref<200x64xf32, #tpu.memory_space<vmem>>) offsets(%dma_start3A_48 : memref<200xi32, #tpu.memory_space<vmem>>) semaphore(%arg9 : memref<!tpu.dma_semaphore, #tpu.memory_space<semaphore_mem>>)
    %add3A_52 = arith.constant 4 : i32
    %add3A_53 = arith.addi %mul3A_2, %add3A_52 : i32
    %dma_start3A_54 = arith.constant 0 : i32
    %dma_start3A_55 = tpu.memref_slice %arg2[%add3A_53, %dma_start3A_54] : memref<2048x200xi32, #tpu.memory_space<hbm>> -> memref<4x200xi32, #tpu.memory_space<hbm>>
    %dma_start3A_56 = arith.constant 0 : i32
    %dma_start3A_57 = tpu.memref_slice %arg2[%add3A_53, %dma_start3A_56] : memref<2048x200xi32, #tpu.memory_space<hbm>> -> memref<4x200xi32, #tpu.memory_space<hbm>>
    tpu.enqueue_dma source(%dma_start3A_57 : memref<4x200xi32, #tpu.memory_space<hbm>>) target(%arg6 : memref<4x200xi32, #tpu.memory_space<vmem>>) target_semaphore(%arg14 : memref<!tpu.dma_semaphore, #tpu.memory_space<semaphore_mem>>)
    %scan3A = arith.constant 0 : i32
    %scan3A_58 = arith.constant 8 : i32
    %scan3A_59 = arith.addi %scan3A, %scan3A_58 : i32
    %scan3A_60 = arith.constant 1 : i32
    scf.for %scan3A_69 = %scan3A to %scan3A_59 step %scan3A_60  : i32 {
      %mul3A_70 = arith.constant 2 : i32
      %mul3A_71 = arith.muli %scan3A_69, %mul3A_70 : i32
      %add3A_72 = arith.constant 0 : i32
      %add3A_73 = arith.addi %add3A_72, %mul3A_71 : i32
      %add3A_74 = arith.constant 0 : i32
      %add3A_75 = arith.addi %add3A_73, %add3A_74 : i32
      %add3A_76 = arith.constant 1 : i32
      %add3A_77 = arith.addi %add3A_75, %add3A_76 : i32
      %lt3A = arith.constant 16 : i32
      %lt3A_78 = arith.cmpi slt, %add3A_77, %lt3A : i32
      %convert_element_type3A = arith.extui %lt3A_78 : i1 to i32
      %cond3A = arith.constant 0 : i32
      %cond3A_79 = arith.cmpi ne, %convert_element_type3A, %cond3A : i32
      scf.if %cond3A_79 {
        %add3A_217 = arith.constant 1 : i32
        %add3A_218 = arith.addi %add3A_75, %add3A_217 : i32
        %mul3A_219 = arith.constant 4 : i32
        %mul3A_220 = arith.muli %add3A_218, %mul3A_219 : i32
        %add3A_221 = arith.addi %mul3A_2, %mul3A_220 : i32
        %dma_wait3A_222 = arith.constant 0 : i32
        %dma_wait3A_223 = tpu.memref_slice %arg2[%add3A_221, %dma_wait3A_222] : memref<2048x200xi32, #tpu.memory_space<hbm>> -> memref<4x200xi32, #tpu.memory_space<hbm>>
        %dma_wait3A_224 = arith.constant 0 : i32
        %dma_wait3A_225 = tpu.memref_slice %arg2[%add3A_221, %dma_wait3A_224] : memref<2048x200xi32, #tpu.memory_space<hbm>> -> memref<4x200xi32, #tpu.memory_space<hbm>>
        tpu.wait_dma2 semaphore(%arg14 : memref<!tpu.dma_semaphore, #tpu.memory_space<semaphore_mem>>) src(%dma_wait3A_225 : memref<4x200xi32, #tpu.memory_space<hbm>>) dst(%arg6 : memref<4x200xi32, #tpu.memory_space<vmem>>)
        %ge3A = arith.constant 1 : i32
        %ge3A_226 = arith.cmpi sge, %add3A_75, %ge3A : i32
        %convert_element_type3A_227 = arith.extui %ge3A_226 : i1 to i32
        %cond3A_228 = arith.constant 0 : i32
        %cond3A_229 = arith.cmpi ne, %convert_element_type3A_227, %cond3A_228 : i32
        scf.if %cond3A_229 {
          %sub3A = arith.constant 1 : i32
          %sub3A_278 = arith.subi %add3A_75, %sub3A : i32
          %mul3A_279 = arith.constant 4 : i32
          %mul3A_280 = arith.muli %sub3A_278, %mul3A_279 : i32
          %add3A_281 = arith.addi %mul3A_2, %mul3A_280 : i32
          %dma_wait3A_282 = arith.constant 0 : i32
          %dma_wait3A_283 = arith.constant 0 : i32
          %dma_wait3A_284 = tpu.memref_slice %arg4[%add3A_281, %dma_wait3A_282, %dma_wait3A_283] : memref<2048x200x128xf32, #tpu.memory_space<hbm>> -> memref<4x200x64xf32, #tpu.memory_space<hbm>>
          %dma_wait3A_285 = arith.constant 0 : i32
          %dma_wait3A_286 = arith.constant 0 : i32
          %dma_wait3A_287 = tpu.memref_slice %arg4[%add3A_281, %dma_wait3A_285, %dma_wait3A_286] : memref<2048x200x128xf32, #tpu.memory_space<hbm>> -> memref<4x200x64xf32, #tpu.memory_space<hbm>>
          tpu.wait_dma2 semaphore(%arg12 : memref<!tpu.dma_semaphore, #tpu.memory_space<semaphore_mem>>) src(%arg8 : memref<4x200x64xf32, #tpu.memory_space<vmem>>) dst(%dma_wait3A_287 : memref<4x200x64xf32, #tpu.memory_space<hbm>>)
        } else {
        }
        %dma_start3A_230 = arith.constant 0 : i32
        %dma_start3A_231 = arith.constant 0 : i32
        %dma_start3A_232 = arith.constant 0 : i32
        %dma_start3A_233 = arith.constant 0 : i32
        %dma_start3A_234 = tpu.memref_slice %arg8[%dma_start3A_231, %dma_start3A_232, %dma_start3A_233] : memref<4x200x64xf32, #tpu.memory_space<vmem>> -> memref<1x200x64xf32, #tpu.memory_space<vmem>>
        %dma_start3A_235 = tpu.memref_squeeze %dma_start3A_234 : memref<1x200x64xf32, #tpu.memory_space<vmem>> -> memref<200x64xf32, #tpu.memory_space<vmem>>
        %dma_start3A_236 = arith.constant 0 : i32
        %dma_start3A_237 = tpu.memref_slice %arg6[%dma_start3A_230, %dma_start3A_236] : memref<4x200xi32, #tpu.memory_space<vmem>> -> memref<1x200xi32, #tpu.memory_space<vmem>>
        %dma_start3A_238 = tpu.memref_squeeze %dma_start3A_237 : memref<1x200xi32, #tpu.memory_space<vmem>> -> memref<200xi32, #tpu.memory_space<vmem>>
        %dma_start3A_239 = arith.constant 0 : i32
        %dma_start3A_240 = arith.constant 0 : i32
        %dma_start3A_241 = tpu.memref_slice %arg3[%dma_start3A_239, %dma_start3A_240] : memref<32768x64xf32, #tpu.memory_space<hbm>> -> memref<32768x64xf32, #tpu.memory_space<hbm>>
        tpu.enqueue_indirect_dma source(%dma_start3A_241 : memref<32768x64xf32, #tpu.memory_space<hbm>>) target(%dma_start3A_235 : memref<200x64xf32, #tpu.memory_space<vmem>>) offsets(%dma_start3A_238 : memref<200xi32, #tpu.memory_space<vmem>>) semaphore(%arg10 : memref<!tpu.dma_semaphore, #tpu.memory_space<semaphore_mem>>)
        %dma_start3A_242 = arith.constant 1 : i32
        %dma_start3A_243 = arith.constant 1 : i32
        %dma_start3A_244 = arith.constant 0 : i32
        %dma_start3A_245 = arith.constant 0 : i32
        %dma_start3A_246 = tpu.memref_slice %arg8[%dma_start3A_243, %dma_start3A_244, %dma_start3A_245] : memref<4x200x64xf32, #tpu.memory_space<vmem>> -> memref<1x200x64xf32, #tpu.memory_space<vmem>>
        %dma_start3A_247 = tpu.memref_squeeze %dma_start3A_246 : memref<1x200x64xf32, #tpu.memory_space<vmem>> -> memref<200x64xf32, #tpu.memory_space<vmem>>
        %dma_start3A_248 = arith.constant 0 : i32
        %dma_start3A_249 = tpu.memref_slice %arg6[%dma_start3A_242, %dma_start3A_248] : memref<4x200xi32, #tpu.memory_space<vmem>> -> memref<1x200xi32, #tpu.memory_space<vmem>>
        %dma_start3A_250 = tpu.memref_squeeze %dma_start3A_249 : memref<1x200xi32, #tpu.memory_space<vmem>> -> memref<200xi32, #tpu.memory_space<vmem>>
        %dma_start3A_251 = arith.constant 0 : i32
        %dma_start3A_252 = arith.constant 0 : i32
        %dma_start3A_253 = tpu.memref_slice %arg3[%dma_start3A_251, %dma_start3A_252] : memref<32768x64xf32, #tpu.memory_space<hbm>> -> memref<32768x64xf32, #tpu.memory_space<hbm>>
        tpu.enqueue_indirect_dma source(%dma_start3A_253 : memref<32768x64xf32, #tpu.memory_space<hbm>>) target(%dma_start3A_247 : memref<200x64xf32, #tpu.memory_space<vmem>>) offsets(%dma_start3A_250 : memref<200xi32, #tpu.memory_space<vmem>>) semaphore(%arg10 : memref<!tpu.dma_semaphore, #tpu.memory_space<semaphore_mem>>)
        %dma_start3A_254 = arith.constant 2 : i32
        %dma_start3A_255 = arith.constant 2 : i32
        %dma_start3A_256 = arith.constant 0 : i32
        %dma_start3A_257 = arith.constant 0 : i32
        %dma_start3A_258 = tpu.memref_slice %arg8[%dma_start3A_255, %dma_start3A_256, %dma_start3A_257] : memref<4x200x64xf32, #tpu.memory_space<vmem>> -> memref<1x200x64xf32, #tpu.memory_space<vmem>>
        %dma_start3A_259 = tpu.memref_squeeze %dma_start3A_258 : memref<1x200x64xf32, #tpu.memory_space<vmem>> -> memref<200x64xf32, #tpu.memory_space<vmem>>
        %dma_start3A_260 = arith.constant 0 : i32
        %dma_start3A_261 = tpu.memref_slice %arg6[%dma_start3A_254, %dma_start3A_260] : memref<4x200xi32, #tpu.memory_space<vmem>> -> memref<1x200xi32, #tpu.memory_space<vmem>>
        %dma_start3A_262 = tpu.memref_squeeze %dma_start3A_261 : memref<1x200xi32, #tpu.memory_space<vmem>> -> memref<200xi32, #tpu.memory_space<vmem>>
        %dma_start3A_263 = arith.constant 0 : i32
        %dma_start3A_264 = arith.constant 0 : i32
        %dma_start3A_265 = tpu.memref_slice %arg3[%dma_start3A_263, %dma_start3A_264] : memref<32768x64xf32, #tpu.memory_space<hbm>> -> memref<32768x64xf32, #tpu.memory_space<hbm>>
        tpu.enqueue_indirect_dma source(%dma_start3A_265 : memref<32768x64xf32, #tpu.memory_space<hbm>>) target(%dma_start3A_259 : memref<200x64xf32, #tpu.memory_space<vmem>>) offsets(%dma_start3A_262 : memref<200xi32, #tpu.memory_space<vmem>>) semaphore(%arg10 : memref<!tpu.dma_semaphore, #tpu.memory_space<semaphore_mem>>)
        %dma_start3A_266 = arith.constant 3 : i32
        %dma_start3A_267 = arith.constant 3 : i32
        %dma_start3A_268 = arith.constant 0 : i32
        %dma_start3A_269 = arith.constant 0 : i32
        %dma_start3A_270 = tpu.memref_slice %arg8[%dma_start3A_267, %dma_start3A_268, %dma_start3A_269] : memref<4x200x64xf32, #tpu.memory_space<vmem>> -> memref<1x200x64xf32, #tpu.memory_space<vmem>>
        %dma_start3A_271 = tpu.memref_squeeze %dma_start3A_270 : memref<1x200x64xf32, #tpu.memory_space<vmem>> -> memref<200x64xf32, #tpu.memory_space<vmem>>
        %dma_start3A_272 = arith.constant 0 : i32
        %dma_start3A_273 = tpu.memref_slice %arg6[%dma_start3A_266, %dma_start3A_272] : memref<4x200xi32, #tpu.memory_space<vmem>> -> memref<1x200xi32, #tpu.memory_space<vmem>>
        %dma_start3A_274 = tpu.memref_squeeze %dma_start3A_273 : memref<1x200xi32, #tpu.memory_space<vmem>> -> memref<200xi32, #tpu.memory_space<vmem>>
        %dma_start3A_275 = arith.constant 0 : i32
        %dma_start3A_276 = arith.constant 0 : i32
        %dma_start3A_277 = tpu.memref_slice %arg3[%dma_start3A_275, %dma_start3A_276] : memref<32768x64xf32, #tpu.memory_space<hbm>> -> memref<32768x64xf32, #tpu.memory_space<hbm>>
        tpu.enqueue_indirect_dma source(%dma_start3A_277 : memref<32768x64xf32, #tpu.memory_space<hbm>>) target(%dma_start3A_271 : memref<200x64xf32, #tpu.memory_space<vmem>>) offsets(%dma_start3A_274 : memref<200xi32, #tpu.memory_space<vmem>>) semaphore(%arg10 : memref<!tpu.dma_semaphore, #tpu.memory_space<semaphore_mem>>)
      } else {
      }
      %dma_wait3A_80 = arith.constant 0 : i32
      %dma_wait3A_81 = arith.constant 0 : i32
      %dma_wait3A_82 = arith.constant 0 : i32
      %dma_wait3A_83 = arith.constant 0 : i32
      %dma_wait3A_84 = tpu.memref_slice %arg7[%dma_wait3A_81, %dma_wait3A_82, %dma_wait3A_83] : memref<4x200x64xf32, #tpu.memory_space<vmem>> -> memref<1x200x64xf32, #tpu.memory_space<vmem>>
      %dma_wait3A_85 = tpu.memref_squeeze %dma_wait3A_84 : memref<1x200x64xf32, #tpu.memory_space<vmem>> -> memref<200x64xf32, #tpu.memory_space<vmem>>
      %dma_wait3A_86 = arith.constant 0 : i32
      %dma_wait3A_87 = tpu.memref_slice %arg5[%dma_wait3A_80, %dma_wait3A_86] : memref<4x200xi32, #tpu.memory_space<vmem>> -> memref<1x200xi32, #tpu.memory_space<vmem>>
      %dma_wait3A_88 = tpu.memref_squeeze %dma_wait3A_87 : memref<1x200xi32, #tpu.memory_space<vmem>> -> memref<200xi32, #tpu.memory_space<vmem>>
      %dma_wait3A_89 = arith.constant 0 : i32
      %dma_wait3A_90 = arith.constant 0 : i32
      %dma_wait3A_91 = tpu.memref_slice %arg3[%dma_wait3A_89, %dma_wait3A_90] : memref<32768x64xf32, #tpu.memory_space<hbm>> -> memref<32768x64xf32, #tpu.memory_space<hbm>>
      tpu.wait_indirect_dma semaphore(%arg9 : memref<!tpu.dma_semaphore, #tpu.memory_space<semaphore_mem>>) src(%dma_wait3A_91 : memref<32768x64xf32, #tpu.memory_space<hbm>>) dst(%dma_wait3A_85 : memref<200x64xf32, #tpu.memory_space<vmem>>)
      %dma_wait3A_92 = arith.constant 1 : i32
      %dma_wait3A_93 = arith.constant 1 : i32
      %dma_wait3A_94 = arith.constant 0 : i32
      %dma_wait3A_95 = arith.constant 0 : i32
      %dma_wait3A_96 = tpu.memref_slice %arg7[%dma_wait3A_93, %dma_wait3A_94, %dma_wait3A_95] : memref<4x200x64xf32, #tpu.memory_space<vmem>> -> memref<1x200x64xf32, #tpu.memory_space<vmem>>
      %dma_wait3A_97 = tpu.memref_squeeze %dma_wait3A_96 : memref<1x200x64xf32, #tpu.memory_space<vmem>> -> memref<200x64xf32, #tpu.memory_space<vmem>>
      %dma_wait3A_98 = arith.constant 0 : i32
      %dma_wait3A_99 = tpu.memref_slice %arg5[%dma_wait3A_92, %dma_wait3A_98] : memref<4x200xi32, #tpu.memory_space<vmem>> -> memref<1x200xi32, #tpu.memory_space<vmem>>
      %dma_wait3A_100 = tpu.memref_squeeze %dma_wait3A_99 : memref<1x200xi32, #tpu.memory_space<vmem>> -> memref<200xi32, #tpu.memory_space<vmem>>
      %dma_wait3A_101 = arith.constant 0 : i32
      %dma_wait3A_102 = arith.constant 0 : i32
      %dma_wait3A_103 = tpu.memref_slice %arg3[%dma_wait3A_101, %dma_wait3A_102] : memref<32768x64xf32, #tpu.memory_space<hbm>> -> memref<32768x64xf32, #tpu.memory_space<hbm>>
      tpu.wait_indirect_dma semaphore(%arg9 : memref<!tpu.dma_semaphore, #tpu.memory_space<semaphore_mem>>) src(%dma_wait3A_103 : memref<32768x64xf32, #tpu.memory_space<hbm>>) dst(%dma_wait3A_97 : memref<200x64xf32, #tpu.memory_space<vmem>>)
      %dma_wait3A_104 = arith.constant 2 : i32
      %dma_wait3A_105 = arith.constant 2 : i32
      %dma_wait3A_106 = arith.constant 0 : i32
      %dma_wait3A_107 = arith.constant 0 : i32
      %dma_wait3A_108 = tpu.memref_slice %arg7[%dma_wait3A_105, %dma_wait3A_106, %dma_wait3A_107] : memref<4x200x64xf32, #tpu.memory_space<vmem>> -> memref<1x200x64xf32, #tpu.memory_space<vmem>>
      %dma_wait3A_109 = tpu.memref_squeeze %dma_wait3A_108 : memref<1x200x64xf32, #tpu.memory_space<vmem>> -> memref<200x64xf32, #tpu.memory_space<vmem>>
      %dma_wait3A_110 = arith.constant 0 : i32
      %dma_wait3A_111 = tpu.memref_slice %arg5[%dma_wait3A_104, %dma_wait3A_110] : memref<4x200xi32, #tpu.memory_space<vmem>> -> memref<1x200xi32, #tpu.memory_space<vmem>>
      %dma_wait3A_112 = tpu.memref_squeeze %dma_wait3A_111 : memref<1x200xi32, #tpu.memory_space<vmem>> -> memref<200xi32, #tpu.memory_space<vmem>>
      %dma_wait3A_113 = arith.constant 0 : i32
      %dma_wait3A_114 = arith.constant 0 : i32
      %dma_wait3A_115 = tpu.memref_slice %arg3[%dma_wait3A_113, %dma_wait3A_114] : memref<32768x64xf32, #tpu.memory_space<hbm>> -> memref<32768x64xf32, #tpu.memory_space<hbm>>
      tpu.wait_indirect_dma semaphore(%arg9 : memref<!tpu.dma_semaphore, #tpu.memory_space<semaphore_mem>>) src(%dma_wait3A_115 : memref<32768x64xf32, #tpu.memory_space<hbm>>) dst(%dma_wait3A_109 : memref<200x64xf32, #tpu.memory_space<vmem>>)
      %dma_wait3A_116 = arith.constant 3 : i32
      %dma_wait3A_117 = arith.constant 3 : i32
      %dma_wait3A_118 = arith.constant 0 : i32
      %dma_wait3A_119 = arith.constant 0 : i32
      %dma_wait3A_120 = tpu.memref_slice %arg7[%dma_wait3A_117, %dma_wait3A_118, %dma_wait3A_119] : memref<4x200x64xf32, #tpu.memory_space<vmem>> -> memref<1x200x64xf32, #tpu.memory_space<vmem>>
      %dma_wait3A_121 = tpu.memref_squeeze %dma_wait3A_120 : memref<1x200x64xf32, #tpu.memory_space<vmem>> -> memref<200x64xf32, #tpu.memory_space<vmem>>
      %dma_wait3A_122 = arith.constant 0 : i32
      %dma_wait3A_123 = tpu.memref_slice %arg5[%dma_wait3A_116, %dma_wait3A_122] : memref<4x200xi32, #tpu.memory_space<vmem>> -> memref<1x200xi32, #tpu.memory_space<vmem>>
      %dma_wait3A_124 = tpu.memref_squeeze %dma_wait3A_123 : memref<1x200xi32, #tpu.memory_space<vmem>> -> memref<200xi32, #tpu.memory_space<vmem>>
      %dma_wait3A_125 = arith.constant 0 : i32
      %dma_wait3A_126 = arith.constant 0 : i32
      %dma_wait3A_127 = tpu.memref_slice %arg3[%dma_wait3A_125, %dma_wait3A_126] : memref<32768x64xf32, #tpu.memory_space<hbm>> -> memref<32768x64xf32, #tpu.memory_space<hbm>>
      tpu.wait_indirect_dma semaphore(%arg9 : memref<!tpu.dma_semaphore, #tpu.memory_space<semaphore_mem>>) src(%dma_wait3A_127 : memref<32768x64xf32, #tpu.memory_space<hbm>>) dst(%dma_wait3A_121 : memref<200x64xf32, #tpu.memory_space<vmem>>)
      %mul3A_128 = arith.constant 4 : i32
      %mul3A_129 = arith.muli %add3A_75, %mul3A_128 : i32
      %add3A_130 = arith.addi %mul3A_2, %mul3A_129 : i32
      %dma_start3A_131 = arith.constant 0 : i32
      %dma_start3A_132 = arith.constant 0 : i32
      %dma_start3A_133 = tpu.memref_slice %arg4[%add3A_130, %dma_start3A_131, %dma_start3A_132] : memref<2048x200x128xf32, #tpu.memory_space<hbm>> -> memref<4x200x64xf32, #tpu.memory_space<hbm>>
      %dma_start3A_134 = arith.constant 0 : i32
      %dma_start3A_135 = arith.constant 0 : i32
      %dma_start3A_136 = tpu.memref_slice %arg4[%add3A_130, %dma_start3A_134, %dma_start3A_135] : memref<2048x200x128xf32, #tpu.memory_space<hbm>> -> memref<4x200x64xf32, #tpu.memory_space<hbm>>
      tpu.enqueue_dma source(%arg7 : memref<4x200x64xf32, #tpu.memory_space<vmem>>) target(%dma_start3A_136 : memref<4x200x64xf32, #tpu.memory_space<hbm>>) target_semaphore(%arg11 : memref<!tpu.dma_semaphore, #tpu.memory_space<semaphore_mem>>)
      %add3A_137 = arith.constant 2 : i32
      %add3A_138 = arith.addi %add3A_75, %add3A_137 : i32
      %lt3A_139 = arith.constant 16 : i32
      %lt3A_140 = arith.cmpi slt, %add3A_138, %lt3A_139 : i32
      %convert_element_type3A_141 = arith.extui %lt3A_140 : i1 to i32
      %cond3A_142 = arith.constant 0 : i32
      %cond3A_143 = arith.cmpi ne, %convert_element_type3A_141, %cond3A_142 : i32
      scf.if %cond3A_143 {
        %add3A_217 = arith.constant 2 : i32
        %add3A_218 = arith.addi %add3A_75, %add3A_217 : i32
        %mul3A_219 = arith.constant 4 : i32
        %mul3A_220 = arith.muli %add3A_218, %mul3A_219 : i32
        %add3A_221 = arith.addi %mul3A_2, %mul3A_220 : i32
        %dma_start3A_222 = arith.constant 0 : i32
        %dma_start3A_223 = tpu.memref_slice %arg2[%add3A_221, %dma_start3A_222] : memref<2048x200xi32, #tpu.memory_space<hbm>> -> memref<4x200xi32, #tpu.memory_space<hbm>>
        %dma_start3A_224 = arith.constant 0 : i32
        %dma_start3A_225 = tpu.memref_slice %arg2[%add3A_221, %dma_start3A_224] : memref<2048x200xi32, #tpu.memory_space<hbm>> -> memref<4x200xi32, #tpu.memory_space<hbm>>
        tpu.enqueue_dma source(%dma_start3A_225 : memref<4x200xi32, #tpu.memory_space<hbm>>) target(%arg5 : memref<4x200xi32, #tpu.memory_space<vmem>>) target_semaphore(%arg13 : memref<!tpu.dma_semaphore, #tpu.memory_space<semaphore_mem>>)
      } else {
      }
      %add3A_144 = arith.constant 1 : i32
      %add3A_145 = arith.addi %add3A_73, %add3A_144 : i32
      %add3A_146 = arith.constant 1 : i32
      %add3A_147 = arith.addi %add3A_145, %add3A_146 : i32
      %lt3A_148 = arith.constant 16 : i32
      %lt3A_149 = arith.cmpi slt, %add3A_147, %lt3A_148 : i32
      %convert_element_type3A_150 = arith.extui %lt3A_149 : i1 to i32
      %cond3A_151 = arith.constant 0 : i32
      %cond3A_152 = arith.cmpi ne, %convert_element_type3A_150, %cond3A_151 : i32
      scf.if %cond3A_152 {
        %add3A_217 = arith.constant 1 : i32
        %add3A_218 = arith.addi %add3A_145, %add3A_217 : i32
        %mul3A_219 = arith.constant 4 : i32
        %mul3A_220 = arith.muli %add3A_218, %mul3A_219 : i32
        %add3A_221 = arith.addi %mul3A_2, %mul3A_220 : i32
        %dma_wait3A_222 = arith.constant 0 : i32
        %dma_wait3A_223 = tpu.memref_slice %arg2[%add3A_221, %dma_wait3A_222] : memref<2048x200xi32, #tpu.memory_space<hbm>> -> memref<4x200xi32, #tpu.memory_space<hbm>>
        %dma_wait3A_224 = arith.constant 0 : i32
        %dma_wait3A_225 = tpu.memref_slice %arg2[%add3A_221, %dma_wait3A_224] : memref<2048x200xi32, #tpu.memory_space<hbm>> -> memref<4x200xi32, #tpu.memory_space<hbm>>
        tpu.wait_dma2 semaphore(%arg13 : memref<!tpu.dma_semaphore, #tpu.memory_space<semaphore_mem>>) src(%dma_wait3A_225 : memref<4x200xi32, #tpu.memory_space<hbm>>) dst(%arg5 : memref<4x200xi32, #tpu.memory_space<vmem>>)
        %ge3A = arith.constant 1 : i32
        %ge3A_226 = arith.cmpi sge, %add3A_145, %ge3A : i32
        %convert_element_type3A_227 = arith.extui %ge3A_226 : i1 to i32
        %cond3A_228 = arith.constant 0 : i32
        %cond3A_229 = arith.cmpi ne, %convert_element_type3A_227, %cond3A_228 : i32
        scf.if %cond3A_229 {
          %sub3A = arith.constant 1 : i32
          %sub3A_278 = arith.subi %add3A_145, %sub3A : i32
          %mul3A_279 = arith.constant 4 : i32
          %mul3A_280 = arith.muli %sub3A_278, %mul3A_279 : i32
          %add3A_281 = arith.addi %mul3A_2, %mul3A_280 : i32
          %dma_wait3A_282 = arith.constant 0 : i32
          %dma_wait3A_283 = arith.constant 0 : i32
          %dma_wait3A_284 = tpu.memref_slice %arg4[%add3A_281, %dma_wait3A_282, %dma_wait3A_283] : memref<2048x200x128xf32, #tpu.memory_space<hbm>> -> memref<4x200x64xf32, #tpu.memory_space<hbm>>
          %dma_wait3A_285 = arith.constant 0 : i32
          %dma_wait3A_286 = arith.constant 0 : i32
          %dma_wait3A_287 = tpu.memref_slice %arg4[%add3A_281, %dma_wait3A_285, %dma_wait3A_286] : memref<2048x200x128xf32, #tpu.memory_space<hbm>> -> memref<4x200x64xf32, #tpu.memory_space<hbm>>
          tpu.wait_dma2 semaphore(%arg11 : memref<!tpu.dma_semaphore, #tpu.memory_space<semaphore_mem>>) src(%arg7 : memref<4x200x64xf32, #tpu.memory_space<vmem>>) dst(%dma_wait3A_287 : memref<4x200x64xf32, #tpu.memory_space<hbm>>)
        } else {
        }
        %dma_start3A_230 = arith.constant 0 : i32
        %dma_start3A_231 = arith.constant 0 : i32
        %dma_start3A_232 = arith.constant 0 : i32
        %dma_start3A_233 = arith.constant 0 : i32
        %dma_start3A_234 = tpu.memref_slice %arg7[%dma_start3A_231, %dma_start3A_232, %dma_start3A_233] : memref<4x200x64xf32, #tpu.memory_space<vmem>> -> memref<1x200x64xf32, #tpu.memory_space<vmem>>
        %dma_start3A_235 = tpu.memref_squeeze %dma_start3A_234 : memref<1x200x64xf32, #tpu.memory_space<vmem>> -> memref<200x64xf32, #tpu.memory_space<vmem>>
        %dma_start3A_236 = arith.constant 0 : i32
        %dma_start3A_237 = tpu.memref_slice %arg5[%dma_start3A_230, %dma_start3A_236] : memref<4x200xi32, #tpu.memory_space<vmem>> -> memref<1x200xi32, #tpu.memory_space<vmem>>
        %dma_start3A_238 = tpu.memref_squeeze %dma_start3A_237 : memref<1x200xi32, #tpu.memory_space<vmem>> -> memref<200xi32, #tpu.memory_space<vmem>>
        %dma_start3A_239 = arith.constant 0 : i32
        %dma_start3A_240 = arith.constant 0 : i32
        %dma_start3A_241 = tpu.memref_slice %arg3[%dma_start3A_239, %dma_start3A_240] : memref<32768x64xf32, #tpu.memory_space<hbm>> -> memref<32768x64xf32, #tpu.memory_space<hbm>>
        tpu.enqueue_indirect_dma source(%dma_start3A_241 : memref<32768x64xf32, #tpu.memory_space<hbm>>) target(%dma_start3A_235 : memref<200x64xf32, #tpu.memory_space<vmem>>) offsets(%dma_start3A_238 : memref<200xi32, #tpu.memory_space<vmem>>) semaphore(%arg9 : memref<!tpu.dma_semaphore, #tpu.memory_space<semaphore_mem>>)
        %dma_start3A_242 = arith.constant 1 : i32
        %dma_start3A_243 = arith.constant 1 : i32
        %dma_start3A_244 = arith.constant 0 : i32
        %dma_start3A_245 = arith.constant 0 : i32
        %dma_start3A_246 = tpu.memref_slice %arg7[%dma_start3A_243, %dma_start3A_244, %dma_start3A_245] : memref<4x200x64xf32, #tpu.memory_space<vmem>> -> memref<1x200x64xf32, #tpu.memory_space<vmem>>
        %dma_start3A_247 = tpu.memref_squeeze %dma_start3A_246 : memref<1x200x64xf32, #tpu.memory_space<vmem>> -> memref<200x64xf32, #tpu.memory_space<vmem>>
        %dma_start3A_248 = arith.constant 0 : i32
        %dma_start3A_249 = tpu.memref_slice %arg5[%dma_start3A_242, %dma_start3A_248] : memref<4x200xi32, #tpu.memory_space<vmem>> -> memref<1x200xi32, #tpu.memory_space<vmem>>
        %dma_start3A_250 = tpu.memref_squeeze %dma_start3A_249 : memref<1x200xi32, #tpu.memory_space<vmem>> -> memref<200xi32, #tpu.memory_space<vmem>>
        %dma_start3A_251 = arith.constant 0 : i32
        %dma_start3A_252 = arith.constant 0 : i32
        %dma_start3A_253 = tpu.memref_slice %arg3[%dma_start3A_251, %dma_start3A_252] : memref<32768x64xf32, #tpu.memory_space<hbm>> -> memref<32768x64xf32, #tpu.memory_space<hbm>>
        tpu.enqueue_indirect_dma source(%dma_start3A_253 : memref<32768x64xf32, #tpu.memory_space<hbm>>) target(%dma_start3A_247 : memref<200x64xf32, #tpu.memory_space<vmem>>) offsets(%dma_start3A_250 : memref<200xi32, #tpu.memory_space<vmem>>) semaphore(%arg9 : memref<!tpu.dma_semaphore, #tpu.memory_space<semaphore_mem>>)
        %dma_start3A_254 = arith.constant 2 : i32
        %dma_start3A_255 = arith.constant 2 : i32
        %dma_start3A_256 = arith.constant 0 : i32
        %dma_start3A_257 = arith.constant 0 : i32
        %dma_start3A_258 = tpu.memref_slice %arg7[%dma_start3A_255, %dma_start3A_256, %dma_start3A_257] : memref<4x200x64xf32, #tpu.memory_space<vmem>> -> memref<1x200x64xf32, #tpu.memory_space<vmem>>
        %dma_start3A_259 = tpu.memref_squeeze %dma_start3A_258 : memref<1x200x64xf32, #tpu.memory_space<vmem>> -> memref<200x64xf32, #tpu.memory_space<vmem>>
        %dma_start3A_260 = arith.constant 0 : i32
        %dma_start3A_261 = tpu.memref_slice %arg5[%dma_start3A_254, %dma_start3A_260] : memref<4x200xi32, #tpu.memory_space<vmem>> -> memref<1x200xi32, #tpu.memory_space<vmem>>
        %dma_start3A_262 = tpu.memref_squeeze %dma_start3A_261 : memref<1x200xi32, #tpu.memory_space<vmem>> -> memref<200xi32, #tpu.memory_space<vmem>>
        %dma_start3A_263 = arith.constant 0 : i32
        %dma_start3A_264 = arith.constant 0 : i32
        %dma_start3A_265 = tpu.memref_slice %arg3[%dma_start3A_263, %dma_start3A_264] : memref<32768x64xf32, #tpu.memory_space<hbm>> -> memref<32768x64xf32, #tpu.memory_space<hbm>>
        tpu.enqueue_indirect_dma source(%dma_start3A_265 : memref<32768x64xf32, #tpu.memory_space<hbm>>) target(%dma_start3A_259 : memref<200x64xf32, #tpu.memory_space<vmem>>) offsets(%dma_start3A_262 : memref<200xi32, #tpu.memory_space<vmem>>) semaphore(%arg9 : memref<!tpu.dma_semaphore, #tpu.memory_space<semaphore_mem>>)
        %dma_start3A_266 = arith.constant 3 : i32
        %dma_start3A_267 = arith.constant 3 : i32
        %dma_start3A_268 = arith.constant 0 : i32
        %dma_start3A_269 = arith.constant 0 : i32
        %dma_start3A_270 = tpu.memref_slice %arg7[%dma_start3A_267, %dma_start3A_268, %dma_start3A_269] : memref<4x200x64xf32, #tpu.memory_space<vmem>> -> memref<1x200x64xf32, #tpu.memory_space<vmem>>
        %dma_start3A_271 = tpu.memref_squeeze %dma_start3A_270 : memref<1x200x64xf32, #tpu.memory_space<vmem>> -> memref<200x64xf32, #tpu.memory_space<vmem>>
        %dma_start3A_272 = arith.constant 0 : i32
        %dma_start3A_273 = tpu.memref_slice %arg5[%dma_start3A_266, %dma_start3A_272] : memref<4x200xi32, #tpu.memory_space<vmem>> -> memref<1x200xi32, #tpu.memory_space<vmem>>
        %dma_start3A_274 = tpu.memref_squeeze %dma_start3A_273 : memref<1x200xi32, #tpu.memory_space<vmem>> -> memref<200xi32, #tpu.memory_space<vmem>>
        %dma_start3A_275 = arith.constant 0 : i32
        %dma_start3A_276 = arith.constant 0 : i32
        %dma_start3A_277 = tpu.memref_slice %arg3[%dma_start3A_275, %dma_start3A_276] : memref<32768x64xf32, #tpu.memory_space<hbm>> -> memref<32768x64xf32, #tpu.memory_space<hbm>>
        tpu.enqueue_indirect_dma source(%dma_start3A_277 : memref<32768x64xf32, #tpu.memory_space<hbm>>) target(%dma_start3A_271 : memref<200x64xf32, #tpu.memory_space<vmem>>) offsets(%dma_start3A_274 : memref<200xi32, #tpu.memory_space<vmem>>) semaphore(%arg9 : memref<!tpu.dma_semaphore, #tpu.memory_space<semaphore_mem>>)
      } else {
      }
      %dma_wait3A_153 = arith.constant 0 : i32
      %dma_wait3A_154 = arith.constant 0 : i32
      %dma_wait3A_155 = arith.constant 0 : i32
      %dma_wait3A_156 = arith.constant 0 : i32
      %dma_wait3A_157 = tpu.memref_slice %arg8[%dma_wait3A_154, %dma_wait3A_155, %dma_wait3A_156] : memref<4x200x64xf32, #tpu.memory_space<vmem>> -> memref<1x200x64xf32, #tpu.memory_space<vmem>>
      %dma_wait3A_158 = tpu.memref_squeeze %dma_wait3A_157 : memref<1x200x64xf32, #tpu.memory_space<vmem>> -> memref<200x64xf32, #tpu.memory_space<vmem>>
      %dma_wait3A_159 = arith.constant 0 : i32
      %dma_wait3A_160 = tpu.memref_slice %arg6[%dma_wait3A_153, %dma_wait3A_159] : memref<4x200xi32, #tpu.memory_space<vmem>> -> memref<1x200xi32, #tpu.memory_space<vmem>>
      %dma_wait3A_161 = tpu.memref_squeeze %dma_wait3A_160 : memref<1x200xi32, #tpu.memory_space<vmem>> -> memref<200xi32, #tpu.memory_space<vmem>>
      %dma_wait3A_162 = arith.constant 0 : i32
      %dma_wait3A_163 = arith.constant 0 : i32
      %dma_wait3A_164 = tpu.memref_slice %arg3[%dma_wait3A_162, %dma_wait3A_163] : memref<32768x64xf32, #tpu.memory_space<hbm>> -> memref<32768x64xf32, #tpu.memory_space<hbm>>
      tpu.wait_indirect_dma semaphore(%arg10 : memref<!tpu.dma_semaphore, #tpu.memory_space<semaphore_mem>>) src(%dma_wait3A_164 : memref<32768x64xf32, #tpu.memory_space<hbm>>) dst(%dma_wait3A_158 : memref<200x64xf32, #tpu.memory_space<vmem>>)
      %dma_wait3A_165 = arith.constant 1 : i32
      %dma_wait3A_166 = arith.constant 1 : i32
      %dma_wait3A_167 = arith.constant 0 : i32
      %dma_wait3A_168 = arith.constant 0 : i32
      %dma_wait3A_169 = tpu.memref_slice %arg8[%dma_wait3A_166, %dma_wait3A_167, %dma_wait3A_168] : memref<4x200x64xf32, #tpu.memory_space<vmem>> -> memref<1x200x64xf32, #tpu.memory_space<vmem>>
      %dma_wait3A_170 = tpu.memref_squeeze %dma_wait3A_169 : memref<1x200x64xf32, #tpu.memory_space<vmem>> -> memref<200x64xf32, #tpu.memory_space<vmem>>
      %dma_wait3A_171 = arith.constant 0 : i32
      %dma_wait3A_172 = tpu.memref_slice %arg6[%dma_wait3A_165, %dma_wait3A_171] : memref<4x200xi32, #tpu.memory_space<vmem>> -> memref<1x200xi32, #tpu.memory_space<vmem>>
      %dma_wait3A_173 = tpu.memref_squeeze %dma_wait3A_172 : memref<1x200xi32, #tpu.memory_space<vmem>> -> memref<200xi32, #tpu.memory_space<vmem>>
      %dma_wait3A_174 = arith.constant 0 : i32
      %dma_wait3A_175 = arith.constant 0 : i32
      %dma_wait3A_176 = tpu.memref_slice %arg3[%dma_wait3A_174, %dma_wait3A_175] : memref<32768x64xf32, #tpu.memory_space<hbm>> -> memref<32768x64xf32, #tpu.memory_space<hbm>>
      tpu.wait_indirect_dma semaphore(%arg10 : memref<!tpu.dma_semaphore, #tpu.memory_space<semaphore_mem>>) src(%dma_wait3A_176 : memref<32768x64xf32, #tpu.memory_space<hbm>>) dst(%dma_wait3A_170 : memref<200x64xf32, #tpu.memory_space<vmem>>)
      %dma_wait3A_177 = arith.constant 2 : i32
      %dma_wait3A_178 = arith.constant 2 : i32
      %dma_wait3A_179 = arith.constant 0 : i32
      %dma_wait3A_180 = arith.constant 0 : i32
      %dma_wait3A_181 = tpu.memref_slice %arg8[%dma_wait3A_178, %dma_wait3A_179, %dma_wait3A_180] : memref<4x200x64xf32, #tpu.memory_space<vmem>> -> memref<1x200x64xf32, #tpu.memory_space<vmem>>
      %dma_wait3A_182 = tpu.memref_squeeze %dma_wait3A_181 : memref<1x200x64xf32, #tpu.memory_space<vmem>> -> memref<200x64xf32, #tpu.memory_space<vmem>>
      %dma_wait3A_183 = arith.constant 0 : i32
      %dma_wait3A_184 = tpu.memref_slice %arg6[%dma_wait3A_177, %dma_wait3A_183] : memref<4x200xi32, #tpu.memory_space<vmem>> -> memref<1x200xi32, #tpu.memory_space<vmem>>
      %dma_wait3A_185 = tpu.memref_squeeze %dma_wait3A_184 : memref<1x200xi32, #tpu.memory_space<vmem>> -> memref<200xi32, #tpu.memory_space<vmem>>
      %dma_wait3A_186 = arith.constant 0 : i32
      %dma_wait3A_187 = arith.constant 0 : i32
      %dma_wait3A_188 = tpu.memref_slice %arg3[%dma_wait3A_186, %dma_wait3A_187] : memref<32768x64xf32, #tpu.memory_space<hbm>> -> memref<32768x64xf32, #tpu.memory_space<hbm>>
      tpu.wait_indirect_dma semaphore(%arg10 : memref<!tpu.dma_semaphore, #tpu.memory_space<semaphore_mem>>) src(%dma_wait3A_188 : memref<32768x64xf32, #tpu.memory_space<hbm>>) dst(%dma_wait3A_182 : memref<200x64xf32, #tpu.memory_space<vmem>>)
      %dma_wait3A_189 = arith.constant 3 : i32
      %dma_wait3A_190 = arith.constant 3 : i32
      %dma_wait3A_191 = arith.constant 0 : i32
      %dma_wait3A_192 = arith.constant 0 : i32
      %dma_wait3A_193 = tpu.memref_slice %arg8[%dma_wait3A_190, %dma_wait3A_191, %dma_wait3A_192] : memref<4x200x64xf32, #tpu.memory_space<vmem>> -> memref<1x200x64xf32, #tpu.memory_space<vmem>>
      %dma_wait3A_194 = tpu.memref_squeeze %dma_wait3A_193 : memref<1x200x64xf32, #tpu.memory_space<vmem>> -> memref<200x64xf32, #tpu.memory_space<vmem>>
      %dma_wait3A_195 = arith.constant 0 : i32
      %dma_wait3A_196 = tpu.memref_slice %arg6[%dma_wait3A_189, %dma_wait3A_195] : memref<4x200xi32, #tpu.memory_space<vmem>> -> memref<1x200xi32, #tpu.memory_space<vmem>>
      %dma_wait3A_197 = tpu.memref_squeeze %dma_wait3A_196 : memref<1x200xi32, #tpu.memory_space<vmem>> -> memref<200xi32, #tpu.memory_space<vmem>>
      %dma_wait3A_198 = arith.constant 0 : i32
      %dma_wait3A_199 = arith.constant 0 : i32
      %dma_wait3A_200 = tpu.memref_slice %arg3[%dma_wait3A_198, %dma_wait3A_199] : memref<32768x64xf32, #tpu.memory_space<hbm>> -> memref<32768x64xf32, #tpu.memory_space<hbm>>
      tpu.wait_indirect_dma semaphore(%arg10 : memref<!tpu.dma_semaphore, #tpu.memory_space<semaphore_mem>>) src(%dma_wait3A_200 : memref<32768x64xf32, #tpu.memory_space<hbm>>) dst(%dma_wait3A_194 : memref<200x64xf32, #tpu.memory_space<vmem>>)
      %mul3A_201 = arith.constant 4 : i32
      %mul3A_202 = arith.muli %add3A_145, %mul3A_201 : i32
      %add3A_203 = arith.addi %mul3A_2, %mul3A_202 : i32
      %dma_start3A_204 = arith.constant 0 : i32
      %dma_start3A_205 = arith.constant 0 : i32
      %dma_start3A_206 = tpu.memref_slice %arg4[%add3A_203, %dma_start3A_204, %dma_start3A_205] : memref<2048x200x128xf32, #tpu.memory_space<hbm>> -> memref<4x200x64xf32, #tpu.memory_space<hbm>>
      %dma_start3A_207 = arith.constant 0 : i32
      %dma_start3A_208 = arith.constant 0 : i32
      %dma_start3A_209 = tpu.memref_slice %arg4[%add3A_203, %dma_start3A_207, %dma_start3A_208] : memref<2048x200x128xf32, #tpu.memory_space<hbm>> -> memref<4x200x64xf32, #tpu.memory_space<hbm>>
      tpu.enqueue_dma source(%arg8 : memref<4x200x64xf32, #tpu.memory_space<vmem>>) target(%dma_start3A_209 : memref<4x200x64xf32, #tpu.memory_space<hbm>>) target_semaphore(%arg12 : memref<!tpu.dma_semaphore, #tpu.memory_space<semaphore_mem>>)
      %add3A_210 = arith.constant 2 : i32
      %add3A_211 = arith.addi %add3A_145, %add3A_210 : i32
      %lt3A_212 = arith.constant 16 : i32
      %lt3A_213 = arith.cmpi slt, %add3A_211, %lt3A_212 : i32
      %convert_element_type3A_214 = arith.extui %lt3A_213 : i1 to i32
      %cond3A_215 = arith.constant 0 : i32
      %cond3A_216 = arith.cmpi ne, %convert_element_type3A_214, %cond3A_215 : i32
      scf.if %cond3A_216 {
        %add3A_217 = arith.constant 2 : i32
        %add3A_218 = arith.addi %add3A_145, %add3A_217 : i32
        %mul3A_219 = arith.constant 4 : i32
        %mul3A_220 = arith.muli %add3A_218, %mul3A_219 : i32
        %add3A_221 = arith.addi %mul3A_2, %mul3A_220 : i32
        %dma_start3A_222 = arith.constant 0 : i32
        %dma_start3A_223 = tpu.memref_slice %arg2[%add3A_221, %dma_start3A_222] : memref<2048x200xi32, #tpu.memory_space<hbm>> -> memref<4x200xi32, #tpu.memory_space<hbm>>
        %dma_start3A_224 = arith.constant 0 : i32
        %dma_start3A_225 = tpu.memref_slice %arg2[%add3A_221, %dma_start3A_224] : memref<2048x200xi32, #tpu.memory_space<hbm>> -> memref<4x200xi32, #tpu.memory_space<hbm>>
        tpu.enqueue_dma source(%dma_start3A_225 : memref<4x200xi32, #tpu.memory_space<hbm>>) target(%arg6 : memref<4x200xi32, #tpu.memory_space<vmem>>) target_semaphore(%arg14 : memref<!tpu.dma_semaphore, #tpu.memory_space<semaphore_mem>>)
      } else {
      }
    }
    %scan3A_61 = arith.constant 8 : i32
    %add3A_62 = arith.constant 60 : i32
    %add3A_63 = arith.addi %mul3A_2, %add3A_62 : i32
    %dma_wait3A = arith.constant 0 : i32
    %dma_wait3A_64 = arith.constant 0 : i32
    %dma_wait3A_65 = tpu.memref_slice %arg4[%add3A_63, %dma_wait3A, %dma_wait3A_64] : memref<2048x200x128xf32, #tpu.memory_space<hbm>> -> memref<4x200x64xf32, #tpu.memory_space<hbm>>
    %dma_wait3A_66 = arith.constant 0 : i32
    %dma_wait3A_67 = arith.constant 0 : i32
    %dma_wait3A_68 = tpu.memref_slice %arg4[%add3A_63, %dma_wait3A_66, %dma_wait3A_67] : memref<2048x200x128xf32, #tpu.memory_space<hbm>> -> memref<4x200x64xf32, #tpu.memory_space<hbm>>
    tpu.wait_dma2 semaphore(%arg12 : memref<!tpu.dma_semaphore, #tpu.memory_space<semaphore_mem>>) src(%arg8 : memref<4x200x64xf32, #tpu.memory_space<vmem>>) dst(%dma_wait3A_68 : memref<4x200x64xf32, #tpu.memory_space<hbm>>)
    return
  }
}

#map = affine_map<(d0, d1) -> (0, 0)>
#map1 = affine_map<(d0, d1) -> (0, 0, 0)>
module attributes {stable_mosaic.version = 14 : i64} {
  func.func @k(%arg0: i32, %arg1: i32, %arg2: memref<2048x200xi32, #tpu.memory_space<hbm>>, %arg3: memref<32768x64xf32, #tpu.memory_space<hbm>>, %arg4: memref<2048x200x128xf32, #tpu.memory_space<hbm>>, %arg5: memref<4x200xi32, #tpu.memory_space<vmem>>, %arg6: memref<4x200xi32, #tpu.memory_space<vmem>>, %arg7: memref<4x200x64xf32, #tpu.memory_space<vmem>>, %arg8: memref<4x200x64xf32, #tpu.memory_space<vmem>>, %arg9: memref<!tpu.dma_semaphore, #tpu.memory_space<semaphore_mem>>, %arg10: memref<!tpu.dma_semaphore, #tpu.memory_space<semaphore_mem>>, %arg11: memref<!tpu.dma_semaphore, #tpu.memory_space<semaphore_mem>>, %arg12: memref<!tpu.dma_semaphore, #tpu.memory_space<semaphore_mem>>, %arg13: memref<!tpu.dma_semaphore, #tpu.memory_space<semaphore_mem>>, %arg14: memref<!tpu.dma_semaphore, #tpu.memory_space<semaphore_mem>>) attributes {dimension_semantics = [#tpu.dimension_semantics<core_parallel>, #tpu.dimension_semantics<subcore_parallel>], iteration_bounds = array<i64: 2, 16>, scalar_prefetch = 0 : i64, scratch_operands = 10 : i64, tpu.core_type = #tpu.core_type<sc_vector_subcore>, window_params = [{transform_indices = #map}, {transform_indices = #map}, {transform_indices = #map1}]} {
    %mul3A = arith.constant 2 : i32
    %mul3A_0 = arith.muli %arg1, %mul3A : i32
    %add3A = arith.addi %mul3A_0, %arg0 : i32
    %mul3A_1 = arith.constant 64 : i32
    %mul3A_2 = arith.muli %add3A, %mul3A_1 : i32
    %add3A_3 = arith.constant 0 : i32
    %add3A_4 = arith.addi %mul3A_2, %add3A_3 : i32
    "tpu.region"() ({
      %run_scoped3A = tpu.sem_alloc : memref<!tpu.dma_semaphore, #tpu.memory_space<semaphore_mem>>
      %dma_start3A_69 = arith.constant 0 : i32
      %dma_start3A_70 = tpu.memref_slice %arg2[%add3A_4, %dma_start3A_69] : memref<2048x200xi32, #tpu.memory_space<hbm>> -> memref<4x200xi32, #tpu.memory_space<hbm>>
      %dma_start3A_71 = arith.constant 0 : i32
      %dma_start3A_72 = tpu.memref_slice %arg2[%add3A_4, %dma_start3A_71] : memref<2048x200xi32, #tpu.memory_space<hbm>> -> memref<4x200xi32, #tpu.memory_space<hbm>>
      tpu.enqueue_dma source(%dma_start3A_72 : memref<4x200xi32, #tpu.memory_space<hbm>>) target(%arg5 : memref<4x200xi32, #tpu.memory_space<vmem>>) target_semaphore(%run_scoped3A : memref<!tpu.dma_semaphore, #tpu.memory_space<semaphore_mem>>)
      %dma_wait3A_73 = arith.constant 0 : i32
      %dma_wait3A_74 = tpu.memref_slice %arg2[%add3A_4, %dma_wait3A_73] : memref<2048x200xi32, #tpu.memory_space<hbm>> -> memref<4x200xi32, #tpu.memory_space<hbm>>
      %dma_wait3A_75 = arith.constant 0 : i32
      %dma_wait3A_76 = tpu.memref_slice %arg2[%add3A_4, %dma_wait3A_75] : memref<2048x200xi32, #tpu.memory_space<hbm>> -> memref<4x200xi32, #tpu.memory_space<hbm>>
      tpu.wait_dma2 semaphore(%run_scoped3A : memref<!tpu.dma_semaphore, #tpu.memory_space<semaphore_mem>>) src(%dma_wait3A_76 : memref<4x200xi32, #tpu.memory_space<hbm>>) dst(%arg5 : memref<4x200xi32, #tpu.memory_space<vmem>>)
      tpu.yield
    }) : () -> ()
    %dma_start3A = arith.constant 0 : i32
    %dma_start3A_5 = arith.constant 0 : i32
    %dma_start3A_6 = arith.constant 0 : i32
    %dma_start3A_7 = arith.constant 0 : i32
    %dma_start3A_8 = tpu.memref_slice %arg7[%dma_start3A_5, %dma_start3A_6, %dma_start3A_7] : memref<4x200x64xf32, #tpu.memory_space<vmem>> -> memref<1x200x64xf32, #tpu.memory_space<vmem>>
    %dma_start3A_9 = tpu.memref_squeeze %dma_start3A_8 : memref<1x200x64xf32, #tpu.memory_space<vmem>> -> memref<200x64xf32, #tpu.memory_space<vmem>>
    %dma_start3A_10 = arith.constant 0 : i32
    %dma_start3A_11 = tpu.memref_slice %arg5[%dma_start3A, %dma_start3A_10] : memref<4x200xi32, #tpu.memory_space<vmem>> -> memref<1x200xi32, #tpu.memory_space<vmem>>
    %dma_start3A_12 = tpu.memref_squeeze %dma_start3A_11 : memref<1x200xi32, #tpu.memory_space<vmem>> -> memref<200xi32, #tpu.memory_space<vmem>>
    %dma_start3A_13 = arith.constant 0 : i32
    %dma_start3A_14 = arith.constant 0 : i32
    %dma_start3A_15 = tpu.memref_slice %arg3[%dma_start3A_13, %dma_start3A_14] : memref<32768x64xf32, #tpu.memory_space<hbm>> -> memref<32768x64xf32, #tpu.memory_space<hbm>>
    tpu.enqueue_indirect_dma source(%dma_start3A_15 : memref<32768x64xf32, #tpu.memory_space<hbm>>) target(%dma_start3A_9 : memref<200x64xf32, #tpu.memory_space<vmem>>) offsets(%dma_start3A_12 : memref<200xi32, #tpu.memory_space<vmem>>) semaphore(%arg9 : memref<!tpu.dma_semaphore, #tpu.memory_space<semaphore_mem>>)
    %dma_start3A_16 = arith.constant 1 : i32
    %dma_start3A_17 = arith.constant 1 : i32
    %dma_start3A_18 = arith.constant 0 : i32
    %dma_start3A_19 = arith.constant 0 : i32
    %dma_start3A_20 = tpu.memref_slice %arg7[%dma_start3A_17, %dma_start3A_18, %dma_start3A_19] : memref<4x200x64xf32, #tpu.memory_space<vmem>> -> memref<1x200x64xf32, #tpu.memory_space<vmem>>
    %dma_start3A_21 = tpu.memref_squeeze %dma_start3A_20 : memref<1x200x64xf32, #tpu.memory_space<vmem>> -> memref<200x64xf32, #tpu.memory_space<vmem>>
    %dma_start3A_22 = arith.constant 0 : i32
    %dma_start3A_23 = tpu.memref_slice %arg5[%dma_start3A_16, %dma_start3A_22] : memref<4x200xi32, #tpu.memory_space<vmem>> -> memref<1x200xi32, #tpu.memory_space<vmem>>
    %dma_start3A_24 = tpu.memref_squeeze %dma_start3A_23 : memref<1x200xi32, #tpu.memory_space<vmem>> -> memref<200xi32, #tpu.memory_space<vmem>>
    %dma_start3A_25 = arith.constant 0 : i32
    %dma_start3A_26 = arith.constant 0 : i32
    %dma_start3A_27 = tpu.memref_slice %arg3[%dma_start3A_25, %dma_start3A_26] : memref<32768x64xf32, #tpu.memory_space<hbm>> -> memref<32768x64xf32, #tpu.memory_space<hbm>>
    tpu.enqueue_indirect_dma source(%dma_start3A_27 : memref<32768x64xf32, #tpu.memory_space<hbm>>) target(%dma_start3A_21 : memref<200x64xf32, #tpu.memory_space<vmem>>) offsets(%dma_start3A_24 : memref<200xi32, #tpu.memory_space<vmem>>) semaphore(%arg9 : memref<!tpu.dma_semaphore, #tpu.memory_space<semaphore_mem>>)
    %dma_start3A_28 = arith.constant 2 : i32
    %dma_start3A_29 = arith.constant 2 : i32
    %dma_start3A_30 = arith.constant 0 : i32
    %dma_start3A_31 = arith.constant 0 : i32
    %dma_start3A_32 = tpu.memref_slice %arg7[%dma_start3A_29, %dma_start3A_30, %dma_start3A_31] : memref<4x200x64xf32, #tpu.memory_space<vmem>> -> memref<1x200x64xf32, #tpu.memory_space<vmem>>
    %dma_start3A_33 = tpu.memref_squeeze %dma_start3A_32 : memref<1x200x64xf32, #tpu.memory_space<vmem>> -> memref<200x64xf32, #tpu.memory_space<vmem>>
    %dma_start3A_34 = arith.constant 0 : i32
    %dma_start3A_35 = tpu.memref_slice %arg5[%dma_start3A_28, %dma_start3A_34] : memref<4x200xi32, #tpu.memory_space<vmem>> -> memref<1x200xi32, #tpu.memory_space<vmem>>
    %dma_start3A_36 = tpu.memref_squeeze %dma_start3A_35 : memref<1x200xi32, #tpu.memory_space<vmem>> -> memref<200xi32, #tpu.memory_space<vmem>>
    %dma_start3A_37 = arith.constant 0 : i32
    %dma_start3A_38 = arith.constant 0 : i32
    %dma_start3A_39 = tpu.memref_slice %arg3[%dma_start3A_37, %dma_start3A_38] : memref<32768x64xf32, #tpu.memory_space<hbm>> -> memref<32768x64xf32, #tpu.memory_space<hbm>>
    tpu.enqueue_indirect_dma source(%dma_start3A_39 : memref<32768x64xf32, #tpu.memory_space<hbm>>) target(%dma_start3A_33 : memref<200x64xf32, #tpu.memory_space<vmem>>) offsets(%dma_start3A_36 : memref<200xi32, #tpu.memory_space<vmem>>) semaphore(%arg9 : memref<!tpu.dma_semaphore, #tpu.memory_space<semaphore_mem>>)
    %dma_start3A_40 = arith.constant 3 : i32
    %dma_start3A_41 = arith.constant 3 : i32
    %dma_start3A_42 = arith.constant 0 : i32
    %dma_start3A_43 = arith.constant 0 : i32
    %dma_start3A_44 = tpu.memref_slice %arg7[%dma_start3A_41, %dma_start3A_42, %dma_start3A_43] : memref<4x200x64xf32, #tpu.memory_space<vmem>> -> memref<1x200x64xf32, #tpu.memory_space<vmem>>
    %dma_start3A_45 = tpu.memref_squeeze %dma_start3A_44 : memref<1x200x64xf32, #tpu.memory_space<vmem>> -> memref<200x64xf32, #tpu.memory_space<vmem>>
    %dma_start3A_46 = arith.constant 0 : i32
    %dma_start3A_47 = tpu.memref_slice %arg5[%dma_start3A_40, %dma_start3A_46] : memref<4x200xi32, #tpu.memory_space<vmem>> -> memref<1x200xi32, #tpu.memory_space<vmem>>
    %dma_start3A_48 = tpu.memref_squeeze %dma_start3A_47 : memref<1x200xi32, #tpu.memory_space<vmem>> -> memref<200xi32, #tpu.memory_space<vmem>>
    %dma_start3A_49 = arith.constant 0 : i32
    %dma_start3A_50 = arith.constant 0 : i32
    %dma_start3A_51 = tpu.memref_slice %arg3[%dma_start3A_49, %dma_start3A_50] : memref<32768x64xf32, #tpu.memory_space<hbm>> -> memref<32768x64xf32, #tpu.memory_space<hbm>>
    tpu.enqueue_indirect_dma source(%dma_start3A_51 : memref<32768x64xf32, #tpu.memory_space<hbm>>) target(%dma_start3A_45 : memref<200x64xf32, #tpu.memory_space<vmem>>) offsets(%dma_start3A_48 : memref<200xi32, #tpu.memory_space<vmem>>) semaphore(%arg9 : memref<!tpu.dma_semaphore, #tpu.memory_space<semaphore_mem>>)
    %add3A_52 = arith.constant 4 : i32
    %add3A_53 = arith.addi %mul3A_2, %add3A_52 : i32
    %dma_start3A_54 = arith.constant 0 : i32
    %dma_start3A_55 = tpu.memref_slice %arg2[%add3A_53, %dma_start3A_54] : memref<2048x200xi32, #tpu.memory_space<hbm>> -> memref<4x200xi32, #tpu.memory_space<hbm>>
    %dma_start3A_56 = arith.constant 0 : i32
    %dma_start3A_57 = tpu.memref_slice %arg2[%add3A_53, %dma_start3A_56] : memref<2048x200xi32, #tpu.memory_space<hbm>> -> memref<4x200xi32, #tpu.memory_space<hbm>>
    tpu.enqueue_dma source(%dma_start3A_57 : memref<4x200xi32, #tpu.memory_space<hbm>>) target(%arg6 : memref<4x200xi32, #tpu.memory_space<vmem>>) target_semaphore(%arg14 : memref<!tpu.dma_semaphore, #tpu.memory_space<semaphore_mem>>)
    %scan3A = arith.constant 0 : i32
    %scan3A_58 = arith.constant 8 : i32
    %scan3A_59 = arith.addi %scan3A, %scan3A_58 : i32
    %scan3A_60 = arith.constant 1 : i32
    scf.for %scan3A_69 = %scan3A to %scan3A_59 step %scan3A_60  : i32 {
      %mul3A_70 = arith.constant 2 : i32
      %mul3A_71 = arith.muli %scan3A_69, %mul3A_70 : i32
      %add3A_72 = arith.constant 0 : i32
      %add3A_73 = arith.addi %add3A_72, %mul3A_71 : i32
      %add3A_74 = arith.constant 0 : i32
      %add3A_75 = arith.addi %add3A_73, %add3A_74 : i32
      %add3A_76 = arith.constant 1 : i32
      %add3A_77 = arith.addi %add3A_75, %add3A_76 : i32
      %lt3A = arith.constant 16 : i32
      %lt3A_78 = arith.cmpi slt, %add3A_77, %lt3A : i32
      %convert_element_type3A = arith.extui %lt3A_78 : i1 to i32
      %cond3A = arith.constant 0 : i32
      %cond3A_79 = arith.cmpi ne, %convert_element_type3A, %cond3A : i32
      scf.if %cond3A_79 {
        %add3A_217 = arith.constant 1 : i32
        %add3A_218 = arith.addi %add3A_75, %add3A_217 : i32
        %mul3A_219 = arith.constant 4 : i32
        %mul3A_220 = arith.muli %add3A_218, %mul3A_219 : i32
        %add3A_221 = arith.addi %mul3A_2, %mul3A_220 : i32
        %dma_wait3A_222 = arith.constant 0 : i32
        %dma_wait3A_223 = tpu.memref_slice %arg2[%add3A_221, %dma_wait3A_222] : memref<2048x200xi32, #tpu.memory_space<hbm>> -> memref<4x200xi32, #tpu.memory_space<hbm>>
        %dma_wait3A_224 = arith.constant 0 : i32
        %dma_wait3A_225 = tpu.memref_slice %arg2[%add3A_221, %dma_wait3A_224] : memref<2048x200xi32, #tpu.memory_space<hbm>> -> memref<4x200xi32, #tpu.memory_space<hbm>>
        tpu.wait_dma2 semaphore(%arg14 : memref<!tpu.dma_semaphore, #tpu.memory_space<semaphore_mem>>) src(%dma_wait3A_225 : memref<4x200xi32, #tpu.memory_space<hbm>>) dst(%arg6 : memref<4x200xi32, #tpu.memory_space<vmem>>)
        %ge3A = arith.constant 1 : i32
        %ge3A_226 = arith.cmpi sge, %add3A_75, %ge3A : i32
        %convert_element_type3A_227 = arith.extui %ge3A_226 : i1 to i32
        %cond3A_228 = arith.constant 0 : i32
        %cond3A_229 = arith.cmpi ne, %convert_element_type3A_227, %cond3A_228 : i32
        scf.if %cond3A_229 {
          %sub3A = arith.constant 1 : i32
          %sub3A_278 = arith.subi %add3A_75, %sub3A : i32
          %mul3A_279 = arith.constant 4 : i32
          %mul3A_280 = arith.muli %sub3A_278, %mul3A_279 : i32
          %add3A_281 = arith.addi %mul3A_2, %mul3A_280 : i32
          %dma_wait3A_282 = arith.constant 0 : i32
          %dma_wait3A_283 = arith.constant 0 : i32
          %dma_wait3A_284 = tpu.memref_slice %arg4[%add3A_281, %dma_wait3A_282, %dma_wait3A_283] : memref<2048x200x128xf32, #tpu.memory_space<hbm>> -> memref<4x200x64xf32, #tpu.memory_space<hbm>>
          %dma_wait3A_285 = arith.constant 0 : i32
          %dma_wait3A_286 = arith.constant 0 : i32
          %dma_wait3A_287 = tpu.memref_slice %arg4[%add3A_281, %dma_wait3A_285, %dma_wait3A_286] : memref<2048x200x128xf32, #tpu.memory_space<hbm>> -> memref<4x200x64xf32, #tpu.memory_space<hbm>>
          tpu.wait_dma2 semaphore(%arg12 : memref<!tpu.dma_semaphore, #tpu.memory_space<semaphore_mem>>) src(%arg8 : memref<4x200x64xf32, #tpu.memory_space<vmem>>) dst(%dma_wait3A_287 : memref<4x200x64xf32, #tpu.memory_space<hbm>>)
        } else {
        }
        %dma_start3A_230 = arith.constant 0 : i32
        %dma_start3A_231 = arith.constant 0 : i32
        %dma_start3A_232 = arith.constant 0 : i32
        %dma_start3A_233 = arith.constant 0 : i32
        %dma_start3A_234 = tpu.memref_slice %arg8[%dma_start3A_231, %dma_start3A_232, %dma_start3A_233] : memref<4x200x64xf32, #tpu.memory_space<vmem>> -> memref<1x200x64xf32, #tpu.memory_space<vmem>>
        %dma_start3A_235 = tpu.memref_squeeze %dma_start3A_234 : memref<1x200x64xf32, #tpu.memory_space<vmem>> -> memref<200x64xf32, #tpu.memory_space<vmem>>
        %dma_start3A_236 = arith.constant 0 : i32
        %dma_start3A_237 = tpu.memref_slice %arg6[%dma_start3A_230, %dma_start3A_236] : memref<4x200xi32, #tpu.memory_space<vmem>> -> memref<1x200xi32, #tpu.memory_space<vmem>>
        %dma_start3A_238 = tpu.memref_squeeze %dma_start3A_237 : memref<1x200xi32, #tpu.memory_space<vmem>> -> memref<200xi32, #tpu.memory_space<vmem>>
        %dma_start3A_239 = arith.constant 0 : i32
        %dma_start3A_240 = arith.constant 0 : i32
        %dma_start3A_241 = tpu.memref_slice %arg3[%dma_start3A_239, %dma_start3A_240] : memref<32768x64xf32, #tpu.memory_space<hbm>> -> memref<32768x64xf32, #tpu.memory_space<hbm>>
        tpu.enqueue_indirect_dma source(%dma_start3A_241 : memref<32768x64xf32, #tpu.memory_space<hbm>>) target(%dma_start3A_235 : memref<200x64xf32, #tpu.memory_space<vmem>>) offsets(%dma_start3A_238 : memref<200xi32, #tpu.memory_space<vmem>>) semaphore(%arg10 : memref<!tpu.dma_semaphore, #tpu.memory_space<semaphore_mem>>)
        %dma_start3A_242 = arith.constant 1 : i32
        %dma_start3A_243 = arith.constant 1 : i32
        %dma_start3A_244 = arith.constant 0 : i32
        %dma_start3A_245 = arith.constant 0 : i32
        %dma_start3A_246 = tpu.memref_slice %arg8[%dma_start3A_243, %dma_start3A_244, %dma_start3A_245] : memref<4x200x64xf32, #tpu.memory_space<vmem>> -> memref<1x200x64xf32, #tpu.memory_space<vmem>>
        %dma_start3A_247 = tpu.memref_squeeze %dma_start3A_246 : memref<1x200x64xf32, #tpu.memory_space<vmem>> -> memref<200x64xf32, #tpu.memory_space<vmem>>
        %dma_start3A_248 = arith.constant 0 : i32
        %dma_start3A_249 = tpu.memref_slice %arg6[%dma_start3A_242, %dma_start3A_248] : memref<4x200xi32, #tpu.memory_space<vmem>> -> memref<1x200xi32, #tpu.memory_space<vmem>>
        %dma_start3A_250 = tpu.memref_squeeze %dma_start3A_249 : memref<1x200xi32, #tpu.memory_space<vmem>> -> memref<200xi32, #tpu.memory_space<vmem>>
        %dma_start3A_251 = arith.constant 0 : i32
        %dma_start3A_252 = arith.constant 0 : i32
        %dma_start3A_253 = tpu.memref_slice %arg3[%dma_start3A_251, %dma_start3A_252] : memref<32768x64xf32, #tpu.memory_space<hbm>> -> memref<32768x64xf32, #tpu.memory_space<hbm>>
        tpu.enqueue_indirect_dma source(%dma_start3A_253 : memref<32768x64xf32, #tpu.memory_space<hbm>>) target(%dma_start3A_247 : memref<200x64xf32, #tpu.memory_space<vmem>>) offsets(%dma_start3A_250 : memref<200xi32, #tpu.memory_space<vmem>>) semaphore(%arg10 : memref<!tpu.dma_semaphore, #tpu.memory_space<semaphore_mem>>)
        %dma_start3A_254 = arith.constant 2 : i32
        %dma_start3A_255 = arith.constant 2 : i32
        %dma_start3A_256 = arith.constant 0 : i32
        %dma_start3A_257 = arith.constant 0 : i32
        %dma_start3A_258 = tpu.memref_slice %arg8[%dma_start3A_255, %dma_start3A_256, %dma_start3A_257] : memref<4x200x64xf32, #tpu.memory_space<vmem>> -> memref<1x200x64xf32, #tpu.memory_space<vmem>>
        %dma_start3A_259 = tpu.memref_squeeze %dma_start3A_258 : memref<1x200x64xf32, #tpu.memory_space<vmem>> -> memref<200x64xf32, #tpu.memory_space<vmem>>
        %dma_start3A_260 = arith.constant 0 : i32
        %dma_start3A_261 = tpu.memref_slice %arg6[%dma_start3A_254, %dma_start3A_260] : memref<4x200xi32, #tpu.memory_space<vmem>> -> memref<1x200xi32, #tpu.memory_space<vmem>>
        %dma_start3A_262 = tpu.memref_squeeze %dma_start3A_261 : memref<1x200xi32, #tpu.memory_space<vmem>> -> memref<200xi32, #tpu.memory_space<vmem>>
        %dma_start3A_263 = arith.constant 0 : i32
        %dma_start3A_264 = arith.constant 0 : i32
        %dma_start3A_265 = tpu.memref_slice %arg3[%dma_start3A_263, %dma_start3A_264] : memref<32768x64xf32, #tpu.memory_space<hbm>> -> memref<32768x64xf32, #tpu.memory_space<hbm>>
        tpu.enqueue_indirect_dma source(%dma_start3A_265 : memref<32768x64xf32, #tpu.memory_space<hbm>>) target(%dma_start3A_259 : memref<200x64xf32, #tpu.memory_space<vmem>>) offsets(%dma_start3A_262 : memref<200xi32, #tpu.memory_space<vmem>>) semaphore(%arg10 : memref<!tpu.dma_semaphore, #tpu.memory_space<semaphore_mem>>)
        %dma_start3A_266 = arith.constant 3 : i32
        %dma_start3A_267 = arith.constant 3 : i32
        %dma_start3A_268 = arith.constant 0 : i32
        %dma_start3A_269 = arith.constant 0 : i32
        %dma_start3A_270 = tpu.memref_slice %arg8[%dma_start3A_267, %dma_start3A_268, %dma_start3A_269] : memref<4x200x64xf32, #tpu.memory_space<vmem>> -> memref<1x200x64xf32, #tpu.memory_space<vmem>>
        %dma_start3A_271 = tpu.memref_squeeze %dma_start3A_270 : memref<1x200x64xf32, #tpu.memory_space<vmem>> -> memref<200x64xf32, #tpu.memory_space<vmem>>
        %dma_start3A_272 = arith.constant 0 : i32
        %dma_start3A_273 = tpu.memref_slice %arg6[%dma_start3A_266, %dma_start3A_272] : memref<4x200xi32, #tpu.memory_space<vmem>> -> memref<1x200xi32, #tpu.memory_space<vmem>>
        %dma_start3A_274 = tpu.memref_squeeze %dma_start3A_273 : memref<1x200xi32, #tpu.memory_space<vmem>> -> memref<200xi32, #tpu.memory_space<vmem>>
        %dma_start3A_275 = arith.constant 0 : i32
        %dma_start3A_276 = arith.constant 0 : i32
        %dma_start3A_277 = tpu.memref_slice %arg3[%dma_start3A_275, %dma_start3A_276] : memref<32768x64xf32, #tpu.memory_space<hbm>> -> memref<32768x64xf32, #tpu.memory_space<hbm>>
        tpu.enqueue_indirect_dma source(%dma_start3A_277 : memref<32768x64xf32, #tpu.memory_space<hbm>>) target(%dma_start3A_271 : memref<200x64xf32, #tpu.memory_space<vmem>>) offsets(%dma_start3A_274 : memref<200xi32, #tpu.memory_space<vmem>>) semaphore(%arg10 : memref<!tpu.dma_semaphore, #tpu.memory_space<semaphore_mem>>)
      } else {
      }
      %dma_wait3A_80 = arith.constant 0 : i32
      %dma_wait3A_81 = arith.constant 0 : i32
      %dma_wait3A_82 = arith.constant 0 : i32
      %dma_wait3A_83 = arith.constant 0 : i32
      %dma_wait3A_84 = tpu.memref_slice %arg7[%dma_wait3A_81, %dma_wait3A_82, %dma_wait3A_83] : memref<4x200x64xf32, #tpu.memory_space<vmem>> -> memref<1x200x64xf32, #tpu.memory_space<vmem>>
      %dma_wait3A_85 = tpu.memref_squeeze %dma_wait3A_84 : memref<1x200x64xf32, #tpu.memory_space<vmem>> -> memref<200x64xf32, #tpu.memory_space<vmem>>
      %dma_wait3A_86 = arith.constant 0 : i32
      %dma_wait3A_87 = tpu.memref_slice %arg5[%dma_wait3A_80, %dma_wait3A_86] : memref<4x200xi32, #tpu.memory_space<vmem>> -> memref<1x200xi32, #tpu.memory_space<vmem>>
      %dma_wait3A_88 = tpu.memref_squeeze %dma_wait3A_87 : memref<1x200xi32, #tpu.memory_space<vmem>> -> memref<200xi32, #tpu.memory_space<vmem>>
      %dma_wait3A_89 = arith.constant 0 : i32
      %dma_wait3A_90 = arith.constant 0 : i32
      %dma_wait3A_91 = tpu.memref_slice %arg3[%dma_wait3A_89, %dma_wait3A_90] : memref<32768x64xf32, #tpu.memory_space<hbm>> -> memref<32768x64xf32, #tpu.memory_space<hbm>>
      tpu.wait_indirect_dma semaphore(%arg9 : memref<!tpu.dma_semaphore, #tpu.memory_space<semaphore_mem>>) src(%dma_wait3A_91 : memref<32768x64xf32, #tpu.memory_space<hbm>>) dst(%dma_wait3A_85 : memref<200x64xf32, #tpu.memory_space<vmem>>)
      %dma_wait3A_92 = arith.constant 1 : i32
      %dma_wait3A_93 = arith.constant 1 : i32
      %dma_wait3A_94 = arith.constant 0 : i32
      %dma_wait3A_95 = arith.constant 0 : i32
      %dma_wait3A_96 = tpu.memref_slice %arg7[%dma_wait3A_93, %dma_wait3A_94, %dma_wait3A_95] : memref<4x200x64xf32, #tpu.memory_space<vmem>> -> memref<1x200x64xf32, #tpu.memory_space<vmem>>
      %dma_wait3A_97 = tpu.memref_squeeze %dma_wait3A_96 : memref<1x200x64xf32, #tpu.memory_space<vmem>> -> memref<200x64xf32, #tpu.memory_space<vmem>>
      %dma_wait3A_98 = arith.constant 0 : i32
      %dma_wait3A_99 = tpu.memref_slice %arg5[%dma_wait3A_92, %dma_wait3A_98] : memref<4x200xi32, #tpu.memory_space<vmem>> -> memref<1x200xi32, #tpu.memory_space<vmem>>
      %dma_wait3A_100 = tpu.memref_squeeze %dma_wait3A_99 : memref<1x200xi32, #tpu.memory_space<vmem>> -> memref<200xi32, #tpu.memory_space<vmem>>
      %dma_wait3A_101 = arith.constant 0 : i32
      %dma_wait3A_102 = arith.constant 0 : i32
      %dma_wait3A_103 = tpu.memref_slice %arg3[%dma_wait3A_101, %dma_wait3A_102] : memref<32768x64xf32, #tpu.memory_space<hbm>> -> memref<32768x64xf32, #tpu.memory_space<hbm>>
      tpu.wait_indirect_dma semaphore(%arg9 : memref<!tpu.dma_semaphore, #tpu.memory_space<semaphore_mem>>) src(%dma_wait3A_103 : memref<32768x64xf32, #tpu.memory_space<hbm>>) dst(%dma_wait3A_97 : memref<200x64xf32, #tpu.memory_space<vmem>>)
      %dma_wait3A_104 = arith.constant 2 : i32
      %dma_wait3A_105 = arith.constant 2 : i32
      %dma_wait3A_106 = arith.constant 0 : i32
      %dma_wait3A_107 = arith.constant 0 : i32
      %dma_wait3A_108 = tpu.memref_slice %arg7[%dma_wait3A_105, %dma_wait3A_106, %dma_wait3A_107] : memref<4x200x64xf32, #tpu.memory_space<vmem>> -> memref<1x200x64xf32, #tpu.memory_space<vmem>>
      %dma_wait3A_109 = tpu.memref_squeeze %dma_wait3A_108 : memref<1x200x64xf32, #tpu.memory_space<vmem>> -> memref<200x64xf32, #tpu.memory_space<vmem>>
      %dma_wait3A_110 = arith.constant 0 : i32
      %dma_wait3A_111 = tpu.memref_slice %arg5[%dma_wait3A_104, %dma_wait3A_110] : memref<4x200xi32, #tpu.memory_space<vmem>> -> memref<1x200xi32, #tpu.memory_space<vmem>>
      %dma_wait3A_112 = tpu.memref_squeeze %dma_wait3A_111 : memref<1x200xi32, #tpu.memory_space<vmem>> -> memref<200xi32, #tpu.memory_space<vmem>>
      %dma_wait3A_113 = arith.constant 0 : i32
      %dma_wait3A_114 = arith.constant 0 : i32
      %dma_wait3A_115 = tpu.memref_slice %arg3[%dma_wait3A_113, %dma_wait3A_114] : memref<32768x64xf32, #tpu.memory_space<hbm>> -> memref<32768x64xf32, #tpu.memory_space<hbm>>
      tpu.wait_indirect_dma semaphore(%arg9 : memref<!tpu.dma_semaphore, #tpu.memory_space<semaphore_mem>>) src(%dma_wait3A_115 : memref<32768x64xf32, #tpu.memory_space<hbm>>) dst(%dma_wait3A_109 : memref<200x64xf32, #tpu.memory_space<vmem>>)
      %dma_wait3A_116 = arith.constant 3 : i32
      %dma_wait3A_117 = arith.constant 3 : i32
      %dma_wait3A_118 = arith.constant 0 : i32
      %dma_wait3A_119 = arith.constant 0 : i32
      %dma_wait3A_120 = tpu.memref_slice %arg7[%dma_wait3A_117, %dma_wait3A_118, %dma_wait3A_119] : memref<4x200x64xf32, #tpu.memory_space<vmem>> -> memref<1x200x64xf32, #tpu.memory_space<vmem>>
      %dma_wait3A_121 = tpu.memref_squeeze %dma_wait3A_120 : memref<1x200x64xf32, #tpu.memory_space<vmem>> -> memref<200x64xf32, #tpu.memory_space<vmem>>
      %dma_wait3A_122 = arith.constant 0 : i32
      %dma_wait3A_123 = tpu.memref_slice %arg5[%dma_wait3A_116, %dma_wait3A_122] : memref<4x200xi32, #tpu.memory_space<vmem>> -> memref<1x200xi32, #tpu.memory_space<vmem>>
      %dma_wait3A_124 = tpu.memref_squeeze %dma_wait3A_123 : memref<1x200xi32, #tpu.memory_space<vmem>> -> memref<200xi32, #tpu.memory_space<vmem>>
      %dma_wait3A_125 = arith.constant 0 : i32
      %dma_wait3A_126 = arith.constant 0 : i32
      %dma_wait3A_127 = tpu.memref_slice %arg3[%dma_wait3A_125, %dma_wait3A_126] : memref<32768x64xf32, #tpu.memory_space<hbm>> -> memref<32768x64xf32, #tpu.memory_space<hbm>>
      tpu.wait_indirect_dma semaphore(%arg9 : memref<!tpu.dma_semaphore, #tpu.memory_space<semaphore_mem>>) src(%dma_wait3A_127 : memref<32768x64xf32, #tpu.memory_space<hbm>>) dst(%dma_wait3A_121 : memref<200x64xf32, #tpu.memory_space<vmem>>)
      %mul3A_128 = arith.constant 4 : i32
      %mul3A_129 = arith.muli %add3A_75, %mul3A_128 : i32
      %add3A_130 = arith.addi %mul3A_2, %mul3A_129 : i32
      %dma_start3A_131 = arith.constant 0 : i32
      %dma_start3A_132 = arith.constant 0 : i32
      %dma_start3A_133 = tpu.memref_slice %arg4[%add3A_130, %dma_start3A_131, %dma_start3A_132] : memref<2048x200x128xf32, #tpu.memory_space<hbm>> -> memref<4x200x64xf32, #tpu.memory_space<hbm>>
      %dma_start3A_134 = arith.constant 0 : i32
      %dma_start3A_135 = arith.constant 0 : i32
      %dma_start3A_136 = tpu.memref_slice %arg4[%add3A_130, %dma_start3A_134, %dma_start3A_135] : memref<2048x200x128xf32, #tpu.memory_space<hbm>> -> memref<4x200x64xf32, #tpu.memory_space<hbm>>
      tpu.enqueue_dma source(%arg7 : memref<4x200x64xf32, #tpu.memory_space<vmem>>) target(%dma_start3A_136 : memref<4x200x64xf32, #tpu.memory_space<hbm>>) target_semaphore(%arg11 : memref<!tpu.dma_semaphore, #tpu.memory_space<semaphore_mem>>)
      %add3A_137 = arith.constant 2 : i32
      %add3A_138 = arith.addi %add3A_75, %add3A_137 : i32
      %lt3A_139 = arith.constant 16 : i32
      %lt3A_140 = arith.cmpi slt, %add3A_138, %lt3A_139 : i32
      %convert_element_type3A_141 = arith.extui %lt3A_140 : i1 to i32
      %cond3A_142 = arith.constant 0 : i32
      %cond3A_143 = arith.cmpi ne, %convert_element_type3A_141, %cond3A_142 : i32
      scf.if %cond3A_143 {
        %add3A_217 = arith.constant 2 : i32
        %add3A_218 = arith.addi %add3A_75, %add3A_217 : i32
        %mul3A_219 = arith.constant 4 : i32
        %mul3A_220 = arith.muli %add3A_218, %mul3A_219 : i32
        %add3A_221 = arith.addi %mul3A_2, %mul3A_220 : i32
        %dma_start3A_222 = arith.constant 0 : i32
        %dma_start3A_223 = tpu.memref_slice %arg2[%add3A_221, %dma_start3A_222] : memref<2048x200xi32, #tpu.memory_space<hbm>> -> memref<4x200xi32, #tpu.memory_space<hbm>>
        %dma_start3A_224 = arith.constant 0 : i32
        %dma_start3A_225 = tpu.memref_slice %arg2[%add3A_221, %dma_start3A_224] : memref<2048x200xi32, #tpu.memory_space<hbm>> -> memref<4x200xi32, #tpu.memory_space<hbm>>
        tpu.enqueue_dma source(%dma_start3A_225 : memref<4x200xi32, #tpu.memory_space<hbm>>) target(%arg5 : memref<4x200xi32, #tpu.memory_space<vmem>>) target_semaphore(%arg13 : memref<!tpu.dma_semaphore, #tpu.memory_space<semaphore_mem>>)
      } else {
      }
      %add3A_144 = arith.constant 1 : i32
      %add3A_145 = arith.addi %add3A_73, %add3A_144 : i32
      %add3A_146 = arith.constant 1 : i32
      %add3A_147 = arith.addi %add3A_145, %add3A_146 : i32
      %lt3A_148 = arith.constant 16 : i32
      %lt3A_149 = arith.cmpi slt, %add3A_147, %lt3A_148 : i32
      %convert_element_type3A_150 = arith.extui %lt3A_149 : i1 to i32
      %cond3A_151 = arith.constant 0 : i32
      %cond3A_152 = arith.cmpi ne, %convert_element_type3A_150, %cond3A_151 : i32
      scf.if %cond3A_152 {
        %add3A_217 = arith.constant 1 : i32
        %add3A_218 = arith.addi %add3A_145, %add3A_217 : i32
        %mul3A_219 = arith.constant 4 : i32
        %mul3A_220 = arith.muli %add3A_218, %mul3A_219 : i32
        %add3A_221 = arith.addi %mul3A_2, %mul3A_220 : i32
        %dma_wait3A_222 = arith.constant 0 : i32
        %dma_wait3A_223 = tpu.memref_slice %arg2[%add3A_221, %dma_wait3A_222] : memref<2048x200xi32, #tpu.memory_space<hbm>> -> memref<4x200xi32, #tpu.memory_space<hbm>>
        %dma_wait3A_224 = arith.constant 0 : i32
        %dma_wait3A_225 = tpu.memref_slice %arg2[%add3A_221, %dma_wait3A_224] : memref<2048x200xi32, #tpu.memory_space<hbm>> -> memref<4x200xi32, #tpu.memory_space<hbm>>
        tpu.wait_dma2 semaphore(%arg13 : memref<!tpu.dma_semaphore, #tpu.memory_space<semaphore_mem>>) src(%dma_wait3A_225 : memref<4x200xi32, #tpu.memory_space<hbm>>) dst(%arg5 : memref<4x200xi32, #tpu.memory_space<vmem>>)
        %ge3A = arith.constant 1 : i32
        %ge3A_226 = arith.cmpi sge, %add3A_145, %ge3A : i32
        %convert_element_type3A_227 = arith.extui %ge3A_226 : i1 to i32
        %cond3A_228 = arith.constant 0 : i32
        %cond3A_229 = arith.cmpi ne, %convert_element_type3A_227, %cond3A_228 : i32
        scf.if %cond3A_229 {
          %sub3A = arith.constant 1 : i32
          %sub3A_278 = arith.subi %add3A_145, %sub3A : i32
          %mul3A_279 = arith.constant 4 : i32
          %mul3A_280 = arith.muli %sub3A_278, %mul3A_279 : i32
          %add3A_281 = arith.addi %mul3A_2, %mul3A_280 : i32
          %dma_wait3A_282 = arith.constant 0 : i32
          %dma_wait3A_283 = arith.constant 0 : i32
          %dma_wait3A_284 = tpu.memref_slice %arg4[%add3A_281, %dma_wait3A_282, %dma_wait3A_283] : memref<2048x200x128xf32, #tpu.memory_space<hbm>> -> memref<4x200x64xf32, #tpu.memory_space<hbm>>
          %dma_wait3A_285 = arith.constant 0 : i32
          %dma_wait3A_286 = arith.constant 0 : i32
          %dma_wait3A_287 = tpu.memref_slice %arg4[%add3A_281, %dma_wait3A_285, %dma_wait3A_286] : memref<2048x200x128xf32, #tpu.memory_space<hbm>> -> memref<4x200x64xf32, #tpu.memory_space<hbm>>
          tpu.wait_dma2 semaphore(%arg11 : memref<!tpu.dma_semaphore, #tpu.memory_space<semaphore_mem>>) src(%arg7 : memref<4x200x64xf32, #tpu.memory_space<vmem>>) dst(%dma_wait3A_287 : memref<4x200x64xf32, #tpu.memory_space<hbm>>)
        } else {
        }
        %dma_start3A_230 = arith.constant 0 : i32
        %dma_start3A_231 = arith.constant 0 : i32
        %dma_start3A_232 = arith.constant 0 : i32
        %dma_start3A_233 = arith.constant 0 : i32
        %dma_start3A_234 = tpu.memref_slice %arg7[%dma_start3A_231, %dma_start3A_232, %dma_start3A_233] : memref<4x200x64xf32, #tpu.memory_space<vmem>> -> memref<1x200x64xf32, #tpu.memory_space<vmem>>
        %dma_start3A_235 = tpu.memref_squeeze %dma_start3A_234 : memref<1x200x64xf32, #tpu.memory_space<vmem>> -> memref<200x64xf32, #tpu.memory_space<vmem>>
        %dma_start3A_236 = arith.constant 0 : i32
        %dma_start3A_237 = tpu.memref_slice %arg5[%dma_start3A_230, %dma_start3A_236] : memref<4x200xi32, #tpu.memory_space<vmem>> -> memref<1x200xi32, #tpu.memory_space<vmem>>
        %dma_start3A_238 = tpu.memref_squeeze %dma_start3A_237 : memref<1x200xi32, #tpu.memory_space<vmem>> -> memref<200xi32, #tpu.memory_space<vmem>>
        %dma_start3A_239 = arith.constant 0 : i32
        %dma_start3A_240 = arith.constant 0 : i32
        %dma_start3A_241 = tpu.memref_slice %arg3[%dma_start3A_239, %dma_start3A_240] : memref<32768x64xf32, #tpu.memory_space<hbm>> -> memref<32768x64xf32, #tpu.memory_space<hbm>>
        tpu.enqueue_indirect_dma source(%dma_start3A_241 : memref<32768x64xf32, #tpu.memory_space<hbm>>) target(%dma_start3A_235 : memref<200x64xf32, #tpu.memory_space<vmem>>) offsets(%dma_start3A_238 : memref<200xi32, #tpu.memory_space<vmem>>) semaphore(%arg9 : memref<!tpu.dma_semaphore, #tpu.memory_space<semaphore_mem>>)
        %dma_start3A_242 = arith.constant 1 : i32
        %dma_start3A_243 = arith.constant 1 : i32
        %dma_start3A_244 = arith.constant 0 : i32
        %dma_start3A_245 = arith.constant 0 : i32
        %dma_start3A_246 = tpu.memref_slice %arg7[%dma_start3A_243, %dma_start3A_244, %dma_start3A_245] : memref<4x200x64xf32, #tpu.memory_space<vmem>> -> memref<1x200x64xf32, #tpu.memory_space<vmem>>
        %dma_start3A_247 = tpu.memref_squeeze %dma_start3A_246 : memref<1x200x64xf32, #tpu.memory_space<vmem>> -> memref<200x64xf32, #tpu.memory_space<vmem>>
        %dma_start3A_248 = arith.constant 0 : i32
        %dma_start3A_249 = tpu.memref_slice %arg5[%dma_start3A_242, %dma_start3A_248] : memref<4x200xi32, #tpu.memory_space<vmem>> -> memref<1x200xi32, #tpu.memory_space<vmem>>
        %dma_start3A_250 = tpu.memref_squeeze %dma_start3A_249 : memref<1x200xi32, #tpu.memory_space<vmem>> -> memref<200xi32, #tpu.memory_space<vmem>>
        %dma_start3A_251 = arith.constant 0 : i32
        %dma_start3A_252 = arith.constant 0 : i32
        %dma_start3A_253 = tpu.memref_slice %arg3[%dma_start3A_251, %dma_start3A_252] : memref<32768x64xf32, #tpu.memory_space<hbm>> -> memref<32768x64xf32, #tpu.memory_space<hbm>>
        tpu.enqueue_indirect_dma source(%dma_start3A_253 : memref<32768x64xf32, #tpu.memory_space<hbm>>) target(%dma_start3A_247 : memref<200x64xf32, #tpu.memory_space<vmem>>) offsets(%dma_start3A_250 : memref<200xi32, #tpu.memory_space<vmem>>) semaphore(%arg9 : memref<!tpu.dma_semaphore, #tpu.memory_space<semaphore_mem>>)
        %dma_start3A_254 = arith.constant 2 : i32
        %dma_start3A_255 = arith.constant 2 : i32
        %dma_start3A_256 = arith.constant 0 : i32
        %dma_start3A_257 = arith.constant 0 : i32
        %dma_start3A_258 = tpu.memref_slice %arg7[%dma_start3A_255, %dma_start3A_256, %dma_start3A_257] : memref<4x200x64xf32, #tpu.memory_space<vmem>> -> memref<1x200x64xf32, #tpu.memory_space<vmem>>
        %dma_start3A_259 = tpu.memref_squeeze %dma_start3A_258 : memref<1x200x64xf32, #tpu.memory_space<vmem>> -> memref<200x64xf32, #tpu.memory_space<vmem>>
        %dma_start3A_260 = arith.constant 0 : i32
        %dma_start3A_261 = tpu.memref_slice %arg5[%dma_start3A_254, %dma_start3A_260] : memref<4x200xi32, #tpu.memory_space<vmem>> -> memref<1x200xi32, #tpu.memory_space<vmem>>
        %dma_start3A_262 = tpu.memref_squeeze %dma_start3A_261 : memref<1x200xi32, #tpu.memory_space<vmem>> -> memref<200xi32, #tpu.memory_space<vmem>>
        %dma_start3A_263 = arith.constant 0 : i32
        %dma_start3A_264 = arith.constant 0 : i32
        %dma_start3A_265 = tpu.memref_slice %arg3[%dma_start3A_263, %dma_start3A_264] : memref<32768x64xf32, #tpu.memory_space<hbm>> -> memref<32768x64xf32, #tpu.memory_space<hbm>>
        tpu.enqueue_indirect_dma source(%dma_start3A_265 : memref<32768x64xf32, #tpu.memory_space<hbm>>) target(%dma_start3A_259 : memref<200x64xf32, #tpu.memory_space<vmem>>) offsets(%dma_start3A_262 : memref<200xi32, #tpu.memory_space<vmem>>) semaphore(%arg9 : memref<!tpu.dma_semaphore, #tpu.memory_space<semaphore_mem>>)
        %dma_start3A_266 = arith.constant 3 : i32
        %dma_start3A_267 = arith.constant 3 : i32
        %dma_start3A_268 = arith.constant 0 : i32
        %dma_start3A_269 = arith.constant 0 : i32
        %dma_start3A_270 = tpu.memref_slice %arg7[%dma_start3A_267, %dma_start3A_268, %dma_start3A_269] : memref<4x200x64xf32, #tpu.memory_space<vmem>> -> memref<1x200x64xf32, #tpu.memory_space<vmem>>
        %dma_start3A_271 = tpu.memref_squeeze %dma_start3A_270 : memref<1x200x64xf32, #tpu.memory_space<vmem>> -> memref<200x64xf32, #tpu.memory_space<vmem>>
        %dma_start3A_272 = arith.constant 0 : i32
        %dma_start3A_273 = tpu.memref_slice %arg5[%dma_start3A_266, %dma_start3A_272] : memref<4x200xi32, #tpu.memory_space<vmem>> -> memref<1x200xi32, #tpu.memory_space<vmem>>
        %dma_start3A_274 = tpu.memref_squeeze %dma_start3A_273 : memref<1x200xi32, #tpu.memory_space<vmem>> -> memref<200xi32, #tpu.memory_space<vmem>>
        %dma_start3A_275 = arith.constant 0 : i32
        %dma_start3A_276 = arith.constant 0 : i32
        %dma_start3A_277 = tpu.memref_slice %arg3[%dma_start3A_275, %dma_start3A_276] : memref<32768x64xf32, #tpu.memory_space<hbm>> -> memref<32768x64xf32, #tpu.memory_space<hbm>>
        tpu.enqueue_indirect_dma source(%dma_start3A_277 : memref<32768x64xf32, #tpu.memory_space<hbm>>) target(%dma_start3A_271 : memref<200x64xf32, #tpu.memory_space<vmem>>) offsets(%dma_start3A_274 : memref<200xi32, #tpu.memory_space<vmem>>) semaphore(%arg9 : memref<!tpu.dma_semaphore, #tpu.memory_space<semaphore_mem>>)
      } else {
      }
      %dma_wait3A_153 = arith.constant 0 : i32
      %dma_wait3A_154 = arith.constant 0 : i32
      %dma_wait3A_155 = arith.constant 0 : i32
      %dma_wait3A_156 = arith.constant 0 : i32
      %dma_wait3A_157 = tpu.memref_slice %arg8[%dma_wait3A_154, %dma_wait3A_155, %dma_wait3A_156] : memref<4x200x64xf32, #tpu.memory_space<vmem>> -> memref<1x200x64xf32, #tpu.memory_space<vmem>>
      %dma_wait3A_158 = tpu.memref_squeeze %dma_wait3A_157 : memref<1x200x64xf32, #tpu.memory_space<vmem>> -> memref<200x64xf32, #tpu.memory_space<vmem>>
      %dma_wait3A_159 = arith.constant 0 : i32
      %dma_wait3A_160 = tpu.memref_slice %arg6[%dma_wait3A_153, %dma_wait3A_159] : memref<4x200xi32, #tpu.memory_space<vmem>> -> memref<1x200xi32, #tpu.memory_space<vmem>>
      %dma_wait3A_161 = tpu.memref_squeeze %dma_wait3A_160 : memref<1x200xi32, #tpu.memory_space<vmem>> -> memref<200xi32, #tpu.memory_space<vmem>>
      %dma_wait3A_162 = arith.constant 0 : i32
      %dma_wait3A_163 = arith.constant 0 : i32
      %dma_wait3A_164 = tpu.memref_slice %arg3[%dma_wait3A_162, %dma_wait3A_163] : memref<32768x64xf32, #tpu.memory_space<hbm>> -> memref<32768x64xf32, #tpu.memory_space<hbm>>
      tpu.wait_indirect_dma semaphore(%arg10 : memref<!tpu.dma_semaphore, #tpu.memory_space<semaphore_mem>>) src(%dma_wait3A_164 : memref<32768x64xf32, #tpu.memory_space<hbm>>) dst(%dma_wait3A_158 : memref<200x64xf32, #tpu.memory_space<vmem>>)
      %dma_wait3A_165 = arith.constant 1 : i32
      %dma_wait3A_166 = arith.constant 1 : i32
      %dma_wait3A_167 = arith.constant 0 : i32
      %dma_wait3A_168 = arith.constant 0 : i32
      %dma_wait3A_169 = tpu.memref_slice %arg8[%dma_wait3A_166, %dma_wait3A_167, %dma_wait3A_168] : memref<4x200x64xf32, #tpu.memory_space<vmem>> -> memref<1x200x64xf32, #tpu.memory_space<vmem>>
      %dma_wait3A_170 = tpu.memref_squeeze %dma_wait3A_169 : memref<1x200x64xf32, #tpu.memory_space<vmem>> -> memref<200x64xf32, #tpu.memory_space<vmem>>
      %dma_wait3A_171 = arith.constant 0 : i32
      %dma_wait3A_172 = tpu.memref_slice %arg6[%dma_wait3A_165, %dma_wait3A_171] : memref<4x200xi32, #tpu.memory_space<vmem>> -> memref<1x200xi32, #tpu.memory_space<vmem>>
      %dma_wait3A_173 = tpu.memref_squeeze %dma_wait3A_172 : memref<1x200xi32, #tpu.memory_space<vmem>> -> memref<200xi32, #tpu.memory_space<vmem>>
      %dma_wait3A_174 = arith.constant 0 : i32
      %dma_wait3A_175 = arith.constant 0 : i32
      %dma_wait3A_176 = tpu.memref_slice %arg3[%dma_wait3A_174, %dma_wait3A_175] : memref<32768x64xf32, #tpu.memory_space<hbm>> -> memref<32768x64xf32, #tpu.memory_space<hbm>>
      tpu.wait_indirect_dma semaphore(%arg10 : memref<!tpu.dma_semaphore, #tpu.memory_space<semaphore_mem>>) src(%dma_wait3A_176 : memref<32768x64xf32, #tpu.memory_space<hbm>>) dst(%dma_wait3A_170 : memref<200x64xf32, #tpu.memory_space<vmem>>)
      %dma_wait3A_177 = arith.constant 2 : i32
      %dma_wait3A_178 = arith.constant 2 : i32
      %dma_wait3A_179 = arith.constant 0 : i32
      %dma_wait3A_180 = arith.constant 0 : i32
      %dma_wait3A_181 = tpu.memref_slice %arg8[%dma_wait3A_178, %dma_wait3A_179, %dma_wait3A_180] : memref<4x200x64xf32, #tpu.memory_space<vmem>> -> memref<1x200x64xf32, #tpu.memory_space<vmem>>
      %dma_wait3A_182 = tpu.memref_squeeze %dma_wait3A_181 : memref<1x200x64xf32, #tpu.memory_space<vmem>> -> memref<200x64xf32, #tpu.memory_space<vmem>>
      %dma_wait3A_183 = arith.constant 0 : i32
      %dma_wait3A_184 = tpu.memref_slice %arg6[%dma_wait3A_177, %dma_wait3A_183] : memref<4x200xi32, #tpu.memory_space<vmem>> -> memref<1x200xi32, #tpu.memory_space<vmem>>
      %dma_wait3A_185 = tpu.memref_squeeze %dma_wait3A_184 : memref<1x200xi32, #tpu.memory_space<vmem>> -> memref<200xi32, #tpu.memory_space<vmem>>
      %dma_wait3A_186 = arith.constant 0 : i32
      %dma_wait3A_187 = arith.constant 0 : i32
      %dma_wait3A_188 = tpu.memref_slice %arg3[%dma_wait3A_186, %dma_wait3A_187] : memref<32768x64xf32, #tpu.memory_space<hbm>> -> memref<32768x64xf32, #tpu.memory_space<hbm>>
      tpu.wait_indirect_dma semaphore(%arg10 : memref<!tpu.dma_semaphore, #tpu.memory_space<semaphore_mem>>) src(%dma_wait3A_188 : memref<32768x64xf32, #tpu.memory_space<hbm>>) dst(%dma_wait3A_182 : memref<200x64xf32, #tpu.memory_space<vmem>>)
      %dma_wait3A_189 = arith.constant 3 : i32
      %dma_wait3A_190 = arith.constant 3 : i32
      %dma_wait3A_191 = arith.constant 0 : i32
      %dma_wait3A_192 = arith.constant 0 : i32
      %dma_wait3A_193 = tpu.memref_slice %arg8[%dma_wait3A_190, %dma_wait3A_191, %dma_wait3A_192] : memref<4x200x64xf32, #tpu.memory_space<vmem>> -> memref<1x200x64xf32, #tpu.memory_space<vmem>>
      %dma_wait3A_194 = tpu.memref_squeeze %dma_wait3A_193 : memref<1x200x64xf32, #tpu.memory_space<vmem>> -> memref<200x64xf32, #tpu.memory_space<vmem>>
      %dma_wait3A_195 = arith.constant 0 : i32
      %dma_wait3A_196 = tpu.memref_slice %arg6[%dma_wait3A_189, %dma_wait3A_195] : memref<4x200xi32, #tpu.memory_space<vmem>> -> memref<1x200xi32, #tpu.memory_space<vmem>>
      %dma_wait3A_197 = tpu.memref_squeeze %dma_wait3A_196 : memref<1x200xi32, #tpu.memory_space<vmem>> -> memref<200xi32, #tpu.memory_space<vmem>>
      %dma_wait3A_198 = arith.constant 0 : i32
      %dma_wait3A_199 = arith.constant 0 : i32
      %dma_wait3A_200 = tpu.memref_slice %arg3[%dma_wait3A_198, %dma_wait3A_199] : memref<32768x64xf32, #tpu.memory_space<hbm>> -> memref<32768x64xf32, #tpu.memory_space<hbm>>
      tpu.wait_indirect_dma semaphore(%arg10 : memref<!tpu.dma_semaphore, #tpu.memory_space<semaphore_mem>>) src(%dma_wait3A_200 : memref<32768x64xf32, #tpu.memory_space<hbm>>) dst(%dma_wait3A_194 : memref<200x64xf32, #tpu.memory_space<vmem>>)
      %mul3A_201 = arith.constant 4 : i32
      %mul3A_202 = arith.muli %add3A_145, %mul3A_201 : i32
      %add3A_203 = arith.addi %mul3A_2, %mul3A_202 : i32
      %dma_start3A_204 = arith.constant 0 : i32
      %dma_start3A_205 = arith.constant 0 : i32
      %dma_start3A_206 = tpu.memref_slice %arg4[%add3A_203, %dma_start3A_204, %dma_start3A_205] : memref<2048x200x128xf32, #tpu.memory_space<hbm>> -> memref<4x200x64xf32, #tpu.memory_space<hbm>>
      %dma_start3A_207 = arith.constant 0 : i32
      %dma_start3A_208 = arith.constant 0 : i32
      %dma_start3A_209 = tpu.memref_slice %arg4[%add3A_203, %dma_start3A_207, %dma_start3A_208] : memref<2048x200x128xf32, #tpu.memory_space<hbm>> -> memref<4x200x64xf32, #tpu.memory_space<hbm>>
      tpu.enqueue_dma source(%arg8 : memref<4x200x64xf32, #tpu.memory_space<vmem>>) target(%dma_start3A_209 : memref<4x200x64xf32, #tpu.memory_space<hbm>>) target_semaphore(%arg12 : memref<!tpu.dma_semaphore, #tpu.memory_space<semaphore_mem>>)
      %add3A_210 = arith.constant 2 : i32
      %add3A_211 = arith.addi %add3A_145, %add3A_210 : i32
      %lt3A_212 = arith.constant 16 : i32
      %lt3A_213 = arith.cmpi slt, %add3A_211, %lt3A_212 : i32
      %convert_element_type3A_214 = arith.extui %lt3A_213 : i1 to i32
      %cond3A_215 = arith.constant 0 : i32
      %cond3A_216 = arith.cmpi ne, %convert_element_type3A_214, %cond3A_215 : i32
      scf.if %cond3A_216 {
        %add3A_217 = arith.constant 2 : i32
        %add3A_218 = arith.addi %add3A_145, %add3A_217 : i32
        %mul3A_219 = arith.constant 4 : i32
        %mul3A_220 = arith.muli %add3A_218, %mul3A_219 : i32
        %add3A_221 = arith.addi %mul3A_2, %mul3A_220 : i32
        %dma_start3A_222 = arith.constant 0 : i32
        %dma_start3A_223 = tpu.memref_slice %arg2[%add3A_221, %dma_start3A_222] : memref<2048x200xi32, #tpu.memory_space<hbm>> -> memref<4x200xi32, #tpu.memory_space<hbm>>
        %dma_start3A_224 = arith.constant 0 : i32
        %dma_start3A_225 = tpu.memref_slice %arg2[%add3A_221, %dma_start3A_224] : memref<2048x200xi32, #tpu.memory_space<hbm>> -> memref<4x200xi32, #tpu.memory_space<hbm>>
        tpu.enqueue_dma source(%dma_start3A_225 : memref<4x200xi32, #tpu.memory_space<hbm>>) target(%arg6 : memref<4x200xi32, #tpu.memory_space<vmem>>) target_semaphore(%arg14 : memref<!tpu.dma_semaphore, #tpu.memory_space<semaphore_mem>>)
      } else {
      }
    }
    %scan3A_61 = arith.constant 8 : i32
    %add3A_62 = arith.constant 60 : i32
    %add3A_63 = arith.addi %mul3A_2, %add3A_62 : i32
    %dma_wait3A = arith.constant 0 : i32
    %dma_wait3A_64 = arith.constant 0 : i32
    %dma_wait3A_65 = tpu.memref_slice %arg4[%add3A_63, %dma_wait3A, %dma_wait3A_64] : memref<2048x200x128xf32, #tpu.memory_space<hbm>> -> memref<4x200x64xf32, #tpu.memory_space<hbm>>
    %dma_wait3A_66 = arith.constant 0 : i32
    %dma_wait3A_67 = arith.constant 0 : i32
    %dma_wait3A_68 = tpu.memref_slice %arg4[%add3A_63, %dma_wait3A_66, %dma_wait3A_67] : memref<2048x200x128xf32, #tpu.memory_space<hbm>> -> memref<4x200x64xf32, #tpu.memory_space<hbm>>
    tpu.wait_dma2 semaphore(%arg12 : memref<!tpu.dma_semaphore, #tpu.memory_space<semaphore_mem>>) src(%arg8 : memref<4x200x64xf32, #tpu.memory_space<vmem>>) dst(%dma_wait3A_68 : memref<4x200x64xf32, #tpu.memory_space<hbm>>)
    return
  }
}

module attributes {stable_mosaic.version = 14 : i64} {
  func.func @body(%arg0: i32, %arg1: i32, %arg2: memref<2048x8x128xf32, #tpu.memory_space<vmem>>, %arg3: memref<8x64x2048xf32, #tpu.memory_space<vmem>>) attributes {dimension_semantics = [#tpu.dimension_semantics<arbitrary>, #tpu.dimension_semantics<arbitrary>], iteration_bounds = array<i64: 25, 1>, scalar_prefetch = 0 : i64, scratch_operands = 0 : i64, tpu.core_type = #tpu.core_type<tc>, window_params = [{transform_indices = @transform_0, window_bounds = array<i64: 2048, 8, 128>}, {transform_indices = @transform_1, window_bounds = array<i64: 8, 64, 2048>}]} {
    %get3A = arith.constant 0 : index
    %get3A_0 = arith.constant 0 : index
    %get3A_1 = arith.constant 0 : index
    %get3A_2 = vector.load %arg2[%get3A, %get3A_0, %get3A_1] : memref<2048x8x128xf32, #tpu.memory_space<vmem>>, vector<2048x8x128xf32>
    %reshape3A = vector.shape_cast %get3A_2 : vector<2048x8x128xf32> to vector<2048x1024xf32>
    %transpose3A = tpu.transpose %reshape3A, [1, 0] : vector<2048x1024xf32> -> vector<1024x2048xf32>
    %reshape3A_3 = vector.shape_cast %transpose3A : vector<1024x2048xf32> to vector<8x128x2048xf32>
    %slice3A = vector.extract_strided_slice %reshape3A_3 {offsets = [0, 0, 0], sizes = [8, 64, 2048], strides = [1, 1, 1]} : vector<8x128x2048xf32> to vector<8x64x2048xf32>
    %swap3A = arith.constant 0 : index
    %swap3A_4 = arith.constant 0 : index
    %swap3A_5 = arith.constant 0 : index
    %swap3A_6 = vector.load %arg3[%swap3A, %swap3A_4, %swap3A_5] : memref<8x64x2048xf32, #tpu.memory_space<vmem>>, vector<8x64x2048xf32>
    tpu.vector_store %arg3[%swap3A, %swap3A_4, %swap3A_5], %slice3A {strides = array<i32>} : memref<8x64x2048xf32, #tpu.memory_space<vmem>>, vector<8x64x2048xf32>,
    return
  }
  func.func @transform_0(%arg0: i32, %arg1: i32) -> (i32, i32, i32) {
    %c0_i32 = arith.constant 0 : i32
    %c0_i32_0 = arith.constant 0 : i32
    return %arg1, %arg0, %c0_i32 : i32, i32, i32
  }
  func.func @transform_1(%arg0: i32, %arg1: i32) -> (i32, i32, i32) {
    %add3A = arith.constant 0 : i32
    %add3A_0 = arith.addi %add3A, %arg1 : i32
    %c0_i32 = arith.constant 0 : i32
    %c0_i32_1 = arith.constant 0 : i32
    return %arg0, %c0_i32, %add3A_0 : i32, i32, i32
  }
}

module attributes {stable_mosaic.version = 14 : i64} {
  func.func @body(%arg0: i32, %arg1: i32, %arg2: memref<200x64x4096xf32, #tpu.memory_space<any>>, %arg3: memref<2048x8x128xf32, #tpu.memory_space<vmem>>, %arg4: memref<8x64x2048xf32, #tpu.memory_space<vmem>>) attributes {dimension_semantics = [#tpu.dimension_semantics<arbitrary>, #tpu.dimension_semantics<arbitrary>], iteration_bounds = array<i64: 25, 1>, scalar_prefetch = 0 : i64, scratch_operands = 0 : i64, tpu.core_type = #tpu.core_type<tc>, window_params = [{}, {transform_indices = @transform_1, window_bounds = array<i64: 2048, 8, 128>}, {transform_indices = @transform_2, window_bounds = array<i64: 8, 64, 2048>}]} {
    %get3A = arith.constant 0 : index
    %get3A_0 = arith.constant 0 : index
    %get3A_1 = arith.constant 0 : index
    %get3A_2 = vector.load %arg3[%get3A, %get3A_0, %get3A_1] : memref<2048x8x128xf32, #tpu.memory_space<vmem>>, vector<2048x8x128xf32>
    %reshape3A = vector.shape_cast %get3A_2 : vector<2048x8x128xf32> to vector<2048x1024xf32>
    %transpose3A = tpu.transpose %reshape3A, [1, 0] : vector<2048x1024xf32> -> vector<1024x2048xf32>
    %reshape3A_3 = vector.shape_cast %transpose3A : vector<1024x2048xf32> to vector<8x128x2048xf32>
    %slice3A = vector.extract_strided_slice %reshape3A_3 {offsets = [0, 0, 0], sizes = [8, 64, 2048], strides = [1, 1, 1]} : vector<8x128x2048xf32> to vector<8x64x2048xf32>
    %swap3A = arith.constant 0 : index
    %swap3A_4 = arith.constant 0 : index
    %swap3A_5 = arith.constant 0 : index
    %swap3A_6 = vector.load %arg4[%swap3A, %swap3A_4, %swap3A_5] : memref<8x64x2048xf32, #tpu.memory_space<vmem>>, vector<8x64x2048xf32>
    tpu.vector_store %arg4[%swap3A, %swap3A_4, %swap3A_5], %slice3A {strides = array<i32>} : memref<8x64x2048xf32, #tpu.memory_space<vmem>>, vector<8x64x2048xf32>,
    return
  }
  func.func @transform_1(%arg0: i32, %arg1: i32) -> (i32, i32, i32) {
    %c0_i32 = arith.constant 0 : i32
    %c0_i32_0 = arith.constant 0 : i32
    return %arg1, %arg0, %c0_i32 : i32, i32, i32
  }
  func.func @transform_2(%arg0: i32, %arg1: i32) -> (i32, i32, i32) {
    %add3A = arith.constant 1 : i32
    %add3A_0 = arith.addi %add3A, %arg1 : i32
    %c0_i32 = arith.constant 0 : i32
    %c0_i32_1 = arith.constant 0 : i32
    return %arg0, %c0_i32, %add3A_0 : i32, i32, i32
  }
}

</mosaic_0001>

<sc_bundles>
// kernel: kernel.6.cloned.1.call-start
scs
__scs_entry_jumppad:
0x0: {  	(pc) =	sbr.rel $0x88, $3  }
0x1: {  	(tag) =	ssettag $0x0;
	lr =	simm.s32 $0x1  }
0x2: {  	[smem:$0x3F9F] =	sst lr;
	_ =	strace $0xD0000000  }
0x3: {  	_ = 	snop  }
0x4: {  	_ = 	snop  }
0x5: {  	_ = 	snop  }
0x6: {  	_ = 	snop  }
0x7: {  	_ = 	snop  }
__scs_overlays_trampoline_lowered:
0x8: {  	[smem:$0x3FAE] =	sst s0  }
0x9: {  	[smem:$0x3FAF] =	sst s1  }
0xa: {  	[smem:$0x3FB0] =	sst s2  }
0xb: {  	[smem:$0x3FB1] =	sst s3  }
0xc: {  	[smem:$0x3FB2] =	sst s4  }
0xd: {  	[smem:$0x3FB3] =	sst s5  }
0xe: {  	[smem:$0x3FB4] =	sst s6  }
0xf: {  	[smem:$0x3FB5] =	sst s7  }
0x10: {  	[smem:$0x3FB6] =	sst s8  }
0x11: {  	[smem:$0x3FB7] =	sst s9;
	s0 =	simm.s32 @!p0 $0x0  }
0x12: {  	s1 =	sld [smem:$0x3F9D];
	s0 =	simm.s32 @p0 $0x1  }
0x13: {  	[smem:$0x3FB8] =	sst s0;
	s0 =	simm.s32 @!p1 $0x0  }
0x14: {  	s2 =	sld [smem:$0x3F9C];
	s0 =	simm.s32 @p1 $0x1  }
0x15: {  	[smem:$0x3FB9] =	sst s0;
	s0 =	simm.s32 @!p2 $0x0  }
0x16: {  	s3 =	sld [smem:$0x3FDB];
	s0 =	simm.s32 @p2 $0x1  }
0x17: {  	s4 =	simm.s32 $0x1BF5;
	[smem:$0x3FBB] =	sst s0  }
0x18: {  	s0 =	sld [smem:$0x3F9E];
	_ =	swait.ge [sflag:s4], $0x0  }
0x19: {  	s7 =	sld [smem:$0x3F9F]  }
0x1a: {  	s8 =	sadd.s32 $0xFFFFE003, lr  }
0x1b: {  	s9 =	sadd.s32 $0xFFFFFEF7, lr;
	s5 =	simm.s32 $0xFFFFFFFF;
	p2 =	slt.u32 s8, $0xFFFFF086  }
0x1c: {  	p1 =	slt.u32 s9, $0xF7A;
	s5 =	simm.s32 @!p2 $0x0  }
0x1d: {  	s5 =	simm.s32 @p1 $0x1;
	p0 =	seq.s32 s7, s2  }
0x1e: {  	s7 =	smul.u32 @!p0 $0xF7A, s2;
	p2 =	seq.s32 @!p0 s5, $0x0  }
0x1f: {  	s9 =	smul.u32 $0xF7A, s1;
	s8 =	simm.s32 @!p0 $0x1BF5;
	p2 =	por !p2, p0  }
0x20: {  	[sflag:s8] =	ssyncset.s32 @!p0 $0xFFFFF086;
	s6 =	sadd.s32 @!p0 s3, s7;
	s7 =	simm.s32 @!p0 $0x108  }
0x21: {  	s3 =	sadd.s32 s3, s9;
	s6 =	sadd.s32 @!p0 $0x88, s6;
	s7 =	simm.s32 @p2 $0x1082  }
0x22: {  	[simem:s7], [sflag:s8] =	dma.local @!p0 [hbm:s6], $0xF7A  }
0x23: {  	s9 =	sor.u32 $0xD0000000, s2;
	s6 =	simm.s32 $0x108;
	_ =	swait.ge @!p0 [sflag:s8], $0x0  }
0x24: {  	s3 =	sadd.s32 $0x88, s3;
	s6 =	simm.s32 @!p1 $0x1082;
	[sflag:s4] =	ssyncset.s32 $0xFFFFF086  }
0x25: {  	[simem:s6], [sflag:s4] =	dma.local [hbm:s3], $0xF7A  }
0x26: {  	[smem:$0x3F9F] =	sst s1;
	(tag) =	ssettag s2;
	_ =	strace s9  }
0x27: {  	s1 =	sld [smem:$0x3FAF]  }
0x28: {  	s2 =	sld [smem:$0x3FB0]  }
0x29: {  	s4 =	sld [smem:$0x3FB2]  }
0x2a: {  	p0 =	seq.s32 s5, $0x0;
	s5 =	sld [smem:$0x3FB3]  }
0x2b: {  	s6 =	sld [smem:$0x3FB4]  }
0x2c: {  	s7 =	sld [smem:$0x3FB5]  }
0x2d: {  	s3 =	simm.s32 $0x108;
	s8 =	sld [smem:$0x3FB6]  }
0x2e: {  	s3 =	simm.s32 @!p0 $0x1082;
	s9 =	sld [smem:$0x3FB7]  }
0x2f: {  	lr =	sadd.s32 s0, s3;
	s0 =	sld [smem:$0x3FAE]  }
0x30: {  	s3 =	sld [smem:$0x3FB1]  }
0x31: {  	[smem:$0x3FBA] =	sst s10  }
0x32: {  	s10 =	sld [smem:$0x3FB8];
	_ =	sdelay $0x3  }
0x33: {  	p0 =	seq.s32 s10, $0x1;
	s10 =	sld [smem:$0x3FBA];
	_ =	sdelay $0x3  }
0x34: {  	[smem:$0x3FBA] =	sst s10  }
0x35: {  	s10 =	sld [smem:$0x3FB9];
	_ =	sdelay $0x3  }
0x36: {  	p1 =	seq.s32 s10, $0x1;
	s10 =	sld [smem:$0x3FBA];
	_ =	sdelay $0x3  }
0x37: {  	[smem:$0x3FBA] =	sst s10  }
0x38: {  	s10 =	sld [smem:$0x3FBB]  }
0x39: {  	_ = 	snop;
	(pc) =	sbr.ind lr, $3  }
0x3a: {  	_ = 	snop  }
0x3b: {  	_ = 	snop  }
0x3c: {  	p2 =	seq.s32 s10, $0x1;
	s10 =	sld [smem:$0x3FBA]  }
0x3d: {  	_ =	shalt  }
0x3e: {  	_ =	shalt  }
0x3f: {  	_ =	shalt  }
0x40: {  	_ =	shalt  }
0x41: {  	_ =	shalt  }
0x42: {  	_ =	shalt  }
0x43: {  	_ =	shalt  }
0x44: {  	_ =	shalt  }
0x45: {  	_ =	shalt  }
0x46: {  	_ =	shalt  }
0x47: {  	_ =	shalt  }
0x48: {  	_ =	shalt  }
0x49: {  	_ =	shalt  }
0x4a: {  	_ =	shalt  }
0x4b: {  	_ =	shalt  }
0x4c: {  	_ =	shalt  }
0x4d: {  	_ =	shalt  }
0x4e: {  	_ =	shalt  }
0x4f: {  	_ =	shalt  }
0x50: {  	_ =	shalt  }
0x51: {  	_ =	shalt  }
0x52: {  	_ =	shalt  }
0x53: {  	_ =	shalt  }
0x54: {  	_ =	shalt  }
0x55: {  	_ =	shalt  }
0x56: {  	_ =	shalt  }
0x57: {  	_ =	shalt  }
0x58: {  	_ =	shalt  }
0x59: {  	_ =	shalt  }
0x5a: {  	_ =	shalt  }
0x5b: {  	_ =	shalt  }
0x5c: {  	_ =	shalt  }
0x5d: {  	_ =	shalt  }
0x5e: {  	_ =	shalt  }
0x5f: {  	_ =	shalt  }
0x60: {  	_ =	shalt  }
0x61: {  	_ =	shalt  }
0x62: {  	_ =	shalt  }
0x63: {  	_ =	shalt  }
0x64: {  	_ =	shalt  }
0x65: {  	_ =	shalt  }
0x66: {  	_ =	shalt  }
0x67: {  	_ =	shalt  }
0x68: {  	_ =	shalt  }
0x69: {  	_ =	shalt  }
0x6a: {  	_ =	shalt  }
0x6b: {  	_ =	shalt  }
0x6c: {  	_ =	shalt  }
0x6d: {  	_ =	shalt  }
0x6e: {  	_ =	shalt  }
0x6f: {  	_ =	shalt  }
0x70: {  	_ =	shalt  }
0x71: {  	_ =	shalt  }
0x72: {  	_ =	shalt  }
0x73: {  	_ =	shalt  }
0x74: {  	_ =	shalt  }
0x75: {  	_ =	shalt  }
0x76: {  	_ =	shalt  }
0x77: {  	_ =	shalt  }
0x78: {  	_ =	shalt  }
0x79: {  	_ =	shalt  }
0x7a: {  	_ =	shalt  }
0x7b: {  	_ =	shalt  }
0x7c: {  	_ =	shalt  }
0x7d: {  	_ =	shalt  }
0x7e: {  	_ =	shalt  }
0x7f: {  	_ =	shalt  }
0x80: {  	_ =	shalt  }
0x81: {  	_ =	shalt  }
0x82: {  	_ =	shalt  }
0x83: {  	_ =	shalt  }
0x84: {  	_ =	shalt  }
0x85: {  	_ =	shalt  }
0x86: {  	_ =	shalt  }
0x87: {  	_ =	shalt  }
.Lfunc_end0:
.L_simem_size_0:
called_computation_lowered:
.L_overlay_start_0:
0x88: {  	s2 =	sld [smem:$0x3FD9]  }
0x89: {  	s3 =	sld [smem:$0x3FFE];
	_ =	sdelay $0x1  }
0x8a: {  	s1 =	srdreg.scid  }
0x8b: {  	s0 =	sand.u32 $0x1, s1  }
0x8c: {  	s16 =	sshll.u32 s0, $0xA;
	s2 =	sadd.s32 s3, s2  }
0x8d: {  	s2 =	sadd.s32 s2, s16  }
0x8e: {  	[smem:$0x3FC6] =	sst s2  }
0x8f: {  	_ = 	snop  }
0x90: {  	(tm) =	ssettm $0x1  }
0x91: {  	s17 =	sld [smem:$0x3FFB];
	_ =	sdelay $0x3  }
0x92: {  	_ =	strace s17  }
0x93: {  	s2 =	sld [smem:$0x3FFC];
	_ =	sdelay $0x3  }
0x94: {  	_ =	strace s2  }
0x95: {  	s2 =	sld [smem:$0x3FFD];
	_ =	sdelay $0x3  }
0x96: {  	_ =	strace s2  }
0x97: {  	_ =	strace $0x8FFFFFFF  }
0x98: {  	s18 =	sld [smem:$0x3FDB];
	_ =	sdelay $0x1  }
0x99: {  	s19 =	simm.s32 $_scs_section_size  }
0x9a: {  	s4 =	simm.s32 $_size__tile_overlayer_lowered;
	s5 =	simm.s32 $_tile_overlayer_lowered  }
0x9b: {  	s22 =	simm.s32 $0x1BFF;
	s21 =	sshll.u32 s5, $0x1;
	s2 =	sadd.s32 s19, s18  }
0x9c: {  	s6 =	simm.s32 $0x0;
	s20 =	sshll.u32 s4, $0x1;
	s4 =	sadd.s32 s21, s2  }
0x9d: {  	[timem:s6], [sflag:s22] =	dma.local [hbm:s4], s20  }
0x9e: {  	_ =	swait.ge [sflag:s22], s20  }
0x9f: {  	s3 =	ssub.s32 $0x0, s20;
	[sflag:s22] =	ssyncset.done $0x0  }
0xa0: {  	[sflag:s22] =	ssyncadd.s32 s3;
	_ =	sdelay $0x1  }
0xa1: {  	s23 =	simm.s32 $0x1B8B  }
0xa2: {  	_ =	swait.ge [sflag:s23], $0x1  }
0xa3: {  	[sflag:s23] =	ssyncset.done $0x0  }
0xa4: {  	s25 =	simm.s32 $0x1B8E;
	s24 =	sld [smem:$0x3FFE];
	[sflag:s23] =	ssyncadd.s32 $0xFFFFFFFF  }
0xa5: {  	s26 =	simm.s32 $execute0_lowered;
	[smem:$0x3FD2] =	sst s25  }
0xa6: {  	s4 =	sshll.u32 s26, $0x1;
	_ =	strace $0x80000046;
	[dreg:$0x1] =	wrdreg $0xFFFFFFFF  }
0xa7: {  	s28 =	simm.s32 $_size_execute0_lowered;
	s2 =	sadd.s32 s2, s4;
	[dreg:$0x0] =	wrdreg $0x0  }
0xa8: {  	s4 =	sshll.u32 s28, $0x1;
	[dreg:$0x2] =	wrdreg s2  }
0xa9: {  	[dreg:$0x3] =	wrdreg s4  }
0xaa: {  	[dreg:$0x4] =	wrdreg $0xC0  }
0xab: {  	_ =	task [dreg:s6], $0x5FFFF  }
0xac: {  	[dreg:$0x1] =	wrdreg $0xFFFFFFFF  }
0xad: {  	[dreg:$0x0] =	wrdreg $0x60  }
0xae: {  	[dreg:$0x2] =	wrdreg s24  }
0xaf: {  	[dreg:$0x3] =	wrdreg $0x9  }
0xb0: {  	_ =	task.clear_ibuf [dreg:s6], $0x4FFFF;
	_ =	strace $0x90000046  }
0xb1: {  	s29 =	simm.s32 $0x9;
	_ =	strace $0x80000048  }
0xb2: {  	_ =	swait.ge [sflag:s29], $0x1  }
0xb3: {  	[sflag:s29] =	ssyncadd.s32 $0xFFFFFFFF  }
0xb4: {  	_ =	strace $0x90000048  }
0xb5: {  	_ =	sfence  }
0xb6: {  	s30 =	sld [smem:$0x0];
	_ =	sdelay $0x2  }
0xb7: {  	s31 =	sshll.u32 s1, $0xD;
	s1 =	sshrl.u32 s1, $0x2  }
0xb8: {  	s3 =	sand.u32 $0x4000, s31;
	s1 =	sadd.s32 s1, s30  }
0xb9: {  	s0 =	sor.u32 s3, s0;
	s1 =	sshll.u32 s1, $0x11  }
0xba: {  	s0 =	sor.u32 s1, s0  }
0xbb: {  	s0 =	sadd.s32 $0x8F2B, s0  }
0xbc: {  	[sflag:s0] =	ssyncadd.remote.s32 $0x1  }
0xbd: {  	_ =	sfence.sel $0xFFFF  }
0xbe: {  	[dreg:$0x0] =	wrdreg $0xFFFFFFFF;
	(pc) =	sbr.abs _section_cstart, $3  }
0xbf: {  	[dreg:$0x1] =	wrdreg $0xFFFFFFFF  }
0xc0: {  	_ =	task.clear_ibuf [dreg:s6], $0x2FFFF;
	_ =	strace $0x9FFFFFFF  }
0xc1: {  	(tm) =	ssettm $0x7FFFFFFF  }
tec
execute0_lowered:
.L_overlay_start_1:
0x0: {  	(tag) =	ssettag $0x1  }
0x1: {  	s0 =	rddreg [dreg:$0x0]  }
0x2: {  	s1 =	srdreg.scid;
	s8 =	stileid.u32  }
0x3: {  	s2 =	simm.s32 $0x0;
	s11 =	simm.s32 $0x640;
	s16 =	simm.s32 $0x9C40  }
0x4: {  	s17 =	simm.s32 $0x320;
	s18 =	simm.s32 $0x6;
	s19 =	simm.s32 $0xCE40  }
0x5: {  	s20 =	simm.s32 $0x3E8;
	s21 =	simm.s32 $0x10040;
	s22 =	simm.s32 $0x4B0  }
0x6: {  	s23 =	simm.s32 $0x13240;
	s24 =	simm.s32 $0x578;
	s28 =	simm.s32 $0x40  }
0x7: {  	s29 =	simm.s32 $0x80;
	s30 =	simm.s32 $0x2;
	s31 =	simm.s32 $0x4  }
0x8: {  	s1 =	sand.u32 $0x1, s1;
	s3 =	sshll.u32 s8, $0x7;
	s5 =	smul.u32 $0x64000, s8  }
0x9: {  	[smem:$0x7FF] =	sst s2;
	s7 =	sadd.s32 $0xE00, s0;
	s8 =	smul.u32 $0xC80, s8  }
0xa: {  	s4 =	sshll.u32 s1, $0x6;
	_ =	strace $0x80000047;
	s10 =	smul.u32 $0x640, s1  }
0xb: {  	s25 =	ssub.s32 $0x2, s1;
	s1 =	smul.u32 $0x32000, s1;
	s4 =	sor.u32 s4, s3  }
0xc: {  	s3 =	sadd.s32 $0xD600, s0;
	s9 =	sshrl.u32 s25, $0x1;
	s6 =	smul.u32 $0x19, s4  }
0xd: {  	s0 =	sadd.s32 s5, s0;
	s4 =	smul.u32 $0xC8, s4;
	s9 =	ssub.s32 s25, s9  }
.Ltmp0:
0xe: {  	s0 =	sadd.s32 s1, s0;
	s25 =	simm.s32 $0x16440;
	(pc) =	sbr.rel .LBB2_1-.Ltmp0, $4  }
0xf: {  	s1 =	sadd.s32 $0x4D600, s0;
	s0 =	simm.s32 $0x0;
	s4 =	sshrl.u32 s4, $0x3  }
0x10: {  	s26 =	sadd.s32 s7, s4;
	s4 =	sadd.s32 s7, s6;
	s7 =	sadd.s32 s8, s7  }
0x11: {  	s6 =	smax.u32 s9, $0x1;
	s9 =	simm.s32 $0x7;
	s5 =	sadd.s32 $0x64, s26  }
0x12: {  	s7 =	sadd.s32 s10, s7;
	s10 =	simm.s32 $0xC8;
	s26 =	simm.s32 $0x1  }
.LBB2_4:
0x13: {  	s0 =	sadd.s32 $0x1, s0  }
0x14: {  	p0 =	sne.s32 s0, s6  }
.Ltmp1:
0x15: {  	_ = 	snop;
	(pc) =	sbr.rel @!p0 .LBB2_5-.Ltmp1, $4  }
0x16: {  	_ = 	snop  }
0x17: {  	_ =	swait.ge [sflag:s31], $0xC800  }
0x18: {  	[sflag:s31] =	ssyncset.done $0x0  }
0x19: {  	[sflag:s31] =	ssyncadd.s32 $0xFFFF3800  }
.LBB2_1:
0x1a: {  	[tilespmem:s2], [sflag:$0x7] =	stream.linear.gather [hbm4b:s4+s2], $0x320, $0x38;
	[tilespmem:$0x19640] =	vst v63  }
0x1b: {  	_ =	swait.ge [sflag:s9], $0x320  }
0x1c: {  	[sflag:s9] =	ssyncset.done $0x0  }
0x1d: {  	[sflag:s9] =	ssyncadd.s32 $0xFFFFFCE0  }
0x1e: {  	[tilespmem:s11], [sflag:$0x1] =	stream.indirect.gather [hbm4b:s3+s10], $0x40, s2, s10, $0xb8;
	[tilespmem:$0x19640] =	vst v63  }
0x1f: {  	s8 =	simm.s32 $0x3840  }
0x20: {  	[tilespmem:s8], [sflag:$0x1] =	stream.indirect.gather [hbm4b:s3+s10], $0x40, s10, s10, $0xb8;
	[tilespmem:$0x19640] =	vst v63  }
0x21: {  	s14 =	simm.s32 $0x190;
	s12 =	simm.s32 $0x6A40  }
0x22: {  	[tilespmem:s12], [sflag:$0x1] =	stream.indirect.gather [hbm4b:s3+s10], $0x40, s14, s10, $0xb8;
	[tilespmem:$0x19640] =	vst v63  }
0x23: {  	s15 =	simm.s32 $0x258  }
0x24: {  	[tilespmem:s16], [sflag:$0x1] =	stream.indirect.gather [hbm4b:s3+s10], $0x40, s15, s10, $0xb8;
	[tilespmem:$0x19640] =	vst v63  }
0x25: {  	s8 =	smov.u32 s1;
	s12 =	simm.s32 $0x0  }
0x26: {  	[tilespmem:s17], [sflag:$0x6] =	stream.linear.gather [hbm4b:s5+s2], $0x320, $0x38;
	[tilespmem:$0x19640] =	vst v63  }
.LBB2_2:
0x27: {  	_ =	swait.ge [sflag:s18], $0x320  }
0x28: {  	p0 =	seq.s32 s12, $0x0;
	[sflag:s18] =	ssyncset.done $0x0  }
0x29: {  	s13 =	simm.s32 @!p0 $0x4;
	[sflag:s18] =	ssyncadd.s32 $0xFFFFFCE0  }
0x2a: {  	_ =	swait.ge @!p0 [sflag:s13], $0xC800  }
0x2b: {  	[sflag:s13] =	ssyncset.done @!p0 $0x0  }
0x2c: {  	[sflag:s13] =	ssyncadd.s32 @!p0 $0xFFFF3800  }
0x2d: {  	[tilespmem:s19], [sflag:$0x2] =	stream.indirect.gather [hbm4b:s3+s10], $0x40, s17, s10, $0xb8;
	[tilespmem:$0x19640] =	vst v63  }
0x2e: {  	_ = 	snop  }
0x2f: {  	[tilespmem:s21], [sflag:$0x2] =	stream.indirect.gather [hbm4b:s3+s10], $0x40, s20, s10, $0xb8;
	[tilespmem:$0x19640] =	vst v63  }
0x30: {  	_ = 	snop  }
0x31: {  	[tilespmem:s23], [sflag:$0x2] =	stream.indirect.gather [hbm4b:s3+s10], $0x40, s22, s10, $0xb8;
	[tilespmem:$0x19640] =	vst v63  }
0x32: {  	_ = 	snop  }
0x33: {  	[tilespmem:s25], [sflag:$0x2] =	stream.indirect.gather [hbm4b:s3+s10], $0x40, s24, s10, $0xb8;
	[tilespmem:$0x19640] =	vst v63  }
0x34: {  	_ =	swait.ge [sflag:s26], $0x3200  }
0x35: {  	[sflag:s26] =	ssyncset.done $0x0  }
0x36: {  	[sflag:s26] =	ssyncadd.s32 $0xFFFFCE00  }
0x37: {  	_ =	swait.ge [sflag:s26], $0x3200  }
0x38: {  	[sflag:s26] =	ssyncset.done $0x0  }
0x39: {  	[sflag:s26] =	ssyncadd.s32 $0xFFFFCE00  }
0x3a: {  	_ =	swait.ge [sflag:s26], $0x3200  }
0x3b: {  	[sflag:s26] =	ssyncset.done $0x0  }
0x3c: {  	[sflag:s26] =	ssyncadd.s32 $0xFFFFCE00  }
0x3d: {  	_ =	swait.ge [sflag:s26], $0x3200  }
0x3e: {  	p0 =	seq.s32 s12, $0x578;
	[sflag:s26] =	ssyncset.done $0x0  }
0x3f: {  	s13 =	sadd.s32 @!p0 s12, s7;
	[sflag:s26] =	ssyncadd.s32 $0xFFFFCE00  }
0x40: {  	[hbm4b:s8+s28] =	stream.strided.scatter [tilespmem:s11], [sflag:$0x3], $0xC800, s29, s28, $0x38;
	[tilespmem:$0x19640] =	vst v63  }
0x41: {  	s14 =	simm.s32 @!p0 $0x0;
	s13 =	sadd.s32 @!p0 $0xC8, s13  }
0x42: {  	[tilespmem:s14], [sflag:$0x5] =	stream.linear.gather @!p0 [hbm4b:s13+s14], $0x320, $0x38;
	[tilespmem:$0x19640] =	vst v63  }
0x43: {  	s13 =	simm.s32 @!p0 $0x5  }
0x44: {  	_ =	swait.ge @!p0 [sflag:s13], $0x320  }
0x45: {  	[sflag:s13] =	ssyncset.done @!p0 $0x0  }
0x46: {  	[sflag:s13] =	ssyncadd.s32 @!p0 $0xFFFFFCE0;
	s13 =	simm.s32 @!p0 $0x3  }
0x47: {  	_ =	swait.ge @!p0 [sflag:s13], $0xC800  }
0x48: {  	[sflag:s13] =	ssyncset.done @!p0 $0x0  }
0x49: {  	s15 =	simm.s32 @!p0 $0x640;
	[sflag:s13] =	ssyncadd.s32 @!p0 $0xFFFF3800;
	s13 =	simm.s32 @!p0 $0xC8  }
0x4a: {  	[tilespmem:s15], [sflag:$0x1] =	stream.indirect.gather @!p0 [hbm4b:s3+s13], $0x40, s14, s13, $0xb8;
	[tilespmem:$0x19640] =	vst v63  }
0x4b: {  	s14 =	simm.s32 @!p0 $0x3840  }
0x4c: {  	[tilespmem:s14], [sflag:$0x1] =	stream.indirect.gather @!p0 [hbm4b:s3+s13], $0x40, s13, s13, $0xb8;
	[tilespmem:$0x19640] =	vst v63  }
0x4d: {  	s15 =	simm.s32 @!p0 $0x6A40;
	s14 =	simm.s32 @!p0 $0x190  }
0x4e: {  	[tilespmem:s15], [sflag:$0x1] =	stream.indirect.gather @!p0 [hbm4b:s3+s13], $0x40, s14, s13, $0xb8;
	[tilespmem:$0x19640] =	vst v63  }
0x4f: {  	s14 =	simm.s32 @!p0 $0x258;
	s15 =	simm.s32 @!p0 $0x9C40  }
0x50: {  	[tilespmem:s15], [sflag:$0x1] =	stream.indirect.gather @!p0 [hbm4b:s3+s13], $0x40, s14, s13, $0xb8;
	[tilespmem:$0x19640] =	vst v63  }
0x51: {  	_ =	swait.ge [sflag:s30], $0x3200  }
0x52: {  	[sflag:s30] =	ssyncset.done $0x0  }
0x53: {  	[sflag:s30] =	ssyncadd.s32 $0xFFFFCE00  }
0x54: {  	_ =	swait.ge [sflag:s30], $0x3200  }
0x55: {  	[sflag:s30] =	ssyncset.done $0x0  }
0x56: {  	[sflag:s30] =	ssyncadd.s32 $0xFFFFCE00  }
0x57: {  	_ =	swait.ge [sflag:s30], $0x3200  }
0x58: {  	[sflag:s30] =	ssyncset.done $0x0  }
.Ltmp2:
0x59: {  	[sflag:s30] =	ssyncadd.s32 $0xFFFFCE00;
	(pc) =	sbr.rel @p0 .LBB2_4-.Ltmp2, $4  }
0x5a: {  	_ =	swait.ge [sflag:s30], $0x3200  }
0x5b: {  	[sflag:s30] =	ssyncset.done $0x0  }
0x5c: {  	s15 =	sadd.s32 $0x3200, s8;
	[sflag:s30] =	ssyncadd.s32 $0xFFFFCE00  }
0x5d: {  	[hbm4b:s15+s28] =	stream.strided.scatter [tilespmem:s19], [sflag:$0x4], $0xC800, s29, s28, $0x38;
	[tilespmem:$0x19640] =	vst v63  }
.Ltmp3:
0x5e: {  	(pc) =	sbr.rel .LBB2_2-.Ltmp3, $4  }
0x5f: {  	_ = 	snop  }
0x60: {  	s13 =	sadd.s32 s12, s7  }
0x61: {  	s12 =	sadd.s32 $0xC8, s12;
	s8 =	sadd.s32 $0x6400, s8;
	s13 =	sadd.s32 $0x12C, s13  }
0x62: {  	[tilespmem:s17], [sflag:$0x6] =	stream.linear.gather [hbm4b:s13+s2], $0x320, $0x38;
	[tilespmem:$0x19640] =	vst v63  }
.LBB2_5:
0x63: {  	_ =	sfence.sel $0x180000  }
0x64: {  	[bflag:$0x0] =	sbarrier.arrive $0xFFFF  }
0x65: {  	_ =	strace $0x90000047  }
0x66: {  	s0 =	stileid.u32;
	[bflag:$0x2] =	sbarrier.arrive $0xFFFF  }
0x67: {  	p0 =	sne.s32 s0, $0x0;
	s0 =	rddreg [dreg:$0x1]  }
0x68: {  	s0 =	sadd.s32 @!p0 $0x100000, s0  }
0x69: {  	[sflag:s0] =	ssyncadd.tile.s32 @!p0 $0x1;
	_ =	shalt  }
.Lfunc_end2:
_tile_overlayer_lowered:
.L_overlay_start_2:
0x6a: {  	(tag) =	ssettag $0x2  }
0x6b: {  	s0 =	rddreg [dreg:$0x0];
	s2 =	stileid.u32  }
0x6c: {  	s1 =	rddreg [dreg:$0x1];
	p0 =	sne.s32 s2, $0x0  }
0x6d: {  	s3 =	rddreg [dreg:$0x2];
	[bflag:$0x3] =	sbarrier.arrive $0xFFFF;
	s2 =	simm.s32 @!p0 $0x1C07  }
0x6e: {  	[timem:s3], [sflag:s2] =	dma.local @!p0 [hbm:s0], s1  }
0x6f: {  	s0 =	simm.s32 @!p0 $0x7  }
0x70: {  	_ =	swait.ge @!p0 [sflag:s0], s1  }
0x71: {  	s1 =	ssub.s32 @!p0 $0x0, s1;
	[sflag:s0] =	ssyncset.done @!p0 $0x0  }
0x72: {  	[sflag:s0] =	ssyncadd.s32 @!p0 s1  }
0x73: {  	[bflag:$0x3] =	sbarrier.arrive $0xFFFF  }
0x74: {  	_ =	shalt  }

// kernel: kernel.9.cloned.1.call-start
scs
__scs_entry_jumppad:
0x0: {  	(pc) =	sbr.rel $0x88, $3  }
0x1: {  	(tag) =	ssettag $0x0;
	lr =	simm.s32 $0x1  }
0x2: {  	[smem:$0x3F9F] =	sst lr;
	_ =	strace $0xD0000000  }
0x3: {  	_ = 	snop  }
0x4: {  	_ = 	snop  }
0x5: {  	_ = 	snop  }
0x6: {  	_ = 	snop  }
0x7: {  	_ = 	snop  }
__scs_overlays_trampoline_lowered:
0x8: {  	[smem:$0x3FAE] =	sst s0  }
0x9: {  	[smem:$0x3FAF] =	sst s1  }
0xa: {  	[smem:$0x3FB0] =	sst s2  }
0xb: {  	[smem:$0x3FB1] =	sst s3  }
0xc: {  	[smem:$0x3FB2] =	sst s4  }
0xd: {  	[smem:$0x3FB3] =	sst s5  }
0xe: {  	[smem:$0x3FB4] =	sst s6  }
0xf: {  	[smem:$0x3FB5] =	sst s7  }
0x10: {  	[smem:$0x3FB6] =	sst s8  }
0x11: {  	[smem:$0x3FB7] =	sst s9;
	s0 =	simm.s32 @!p0 $0x0  }
0x12: {  	s1 =	sld [smem:$0x3F9D];
	s0 =	simm.s32 @p0 $0x1  }
0x13: {  	[smem:$0x3FB8] =	sst s0;
	s0 =	simm.s32 @!p1 $0x0  }
0x14: {  	s2 =	sld [smem:$0x3F9C];
	s0 =	simm.s32 @p1 $0x1  }
0x15: {  	[smem:$0x3FB9] =	sst s0;
	s0 =	simm.s32 @!p2 $0x0  }
0x16: {  	s3 =	sld [smem:$0x3FDB];
	s0 =	simm.s32 @p2 $0x1  }
0x17: {  	s4 =	simm.s32 $0x1BF5;
	[smem:$0x3FBB] =	sst s0  }
0x18: {  	s0 =	sld [smem:$0x3F9E];
	_ =	swait.ge [sflag:s4], $0x0  }
0x19: {  	s7 =	sld [smem:$0x3F9F]  }
0x1a: {  	s8 =	sadd.s32 $0xFFFFE003, lr  }
0x1b: {  	s9 =	sadd.s32 $0xFFFFFEF7, lr;
	s5 =	simm.s32 $0xFFFFFFFF;
	p2 =	slt.u32 s8, $0xFFFFF086  }
0x1c: {  	p1 =	slt.u32 s9, $0xF7A;
	s5 =	simm.s32 @!p2 $0x0  }
0x1d: {  	s5 =	simm.s32 @p1 $0x1;
	p0 =	seq.s32 s7, s2  }
0x1e: {  	s7 =	smul.u32 @!p0 $0xF7A, s2;
	p2 =	seq.s32 @!p0 s5, $0x0  }
0x1f: {  	s9 =	smul.u32 $0xF7A, s1;
	s8 =	simm.s32 @!p0 $0x1BF5;
	p2 =	por !p2, p0  }
0x20: {  	[sflag:s8] =	ssyncset.s32 @!p0 $0xFFFFF086;
	s6 =	sadd.s32 @!p0 s3, s7;
	s7 =	simm.s32 @!p0 $0x108  }
0x21: {  	s3 =	sadd.s32 s3, s9;
	s6 =	sadd.s32 @!p0 $0x88, s6;
	s7 =	simm.s32 @p2 $0x1082  }
0x22: {  	[simem:s7], [sflag:s8] =	dma.local @!p0 [hbm:s6], $0xF7A  }
0x23: {  	s9 =	sor.u32 $0xD0000000, s2;
	s6 =	simm.s32 $0x108;
	_ =	swait.ge @!p0 [sflag:s8], $0x0  }
0x24: {  	s3 =	sadd.s32 $0x88, s3;
	s6 =	simm.s32 @!p1 $0x1082;
	[sflag:s4] =	ssyncset.s32 $0xFFFFF086  }
0x25: {  	[simem:s6], [sflag:s4] =	dma.local [hbm:s3], $0xF7A  }
0x26: {  	[smem:$0x3F9F] =	sst s1;
	(tag) =	ssettag s2;
	_ =	strace s9  }
0x27: {  	s1 =	sld [smem:$0x3FAF]  }
0x28: {  	s2 =	sld [smem:$0x3FB0]  }
0x29: {  	s4 =	sld [smem:$0x3FB2]  }
0x2a: {  	p0 =	seq.s32 s5, $0x0;
	s5 =	sld [smem:$0x3FB3]  }
0x2b: {  	s6 =	sld [smem:$0x3FB4]  }
0x2c: {  	s7 =	sld [smem:$0x3FB5]  }
0x2d: {  	s3 =	simm.s32 $0x108;
	s8 =	sld [smem:$0x3FB6]  }
0x2e: {  	s3 =	simm.s32 @!p0 $0x1082;
	s9 =	sld [smem:$0x3FB7]  }
0x2f: {  	lr =	sadd.s32 s0, s3;
	s0 =	sld [smem:$0x3FAE]  }
0x30: {  	s3 =	sld [smem:$0x3FB1]  }
0x31: {  	[smem:$0x3FBA] =	sst s10  }
0x32: {  	s10 =	sld [smem:$0x3FB8];
	_ =	sdelay $0x3  }
0x33: {  	p0 =	seq.s32 s10, $0x1;
	s10 =	sld [smem:$0x3FBA];
	_ =	sdelay $0x3  }
0x34: {  	[smem:$0x3FBA] =	sst s10  }
0x35: {  	s10 =	sld [smem:$0x3FB9];
	_ =	sdelay $0x3  }
0x36: {  	p1 =	seq.s32 s10, $0x1;
	s10 =	sld [smem:$0x3FBA];
	_ =	sdelay $0x3  }
0x37: {  	[smem:$0x3FBA] =	sst s10  }
0x38: {  	s10 =	sld [smem:$0x3FBB]  }
0x39: {  	_ = 	snop;
	(pc) =	sbr.ind lr, $3  }
0x3a: {  	_ = 	snop  }
0x3b: {  	_ = 	snop  }
0x3c: {  	p2 =	seq.s32 s10, $0x1;
	s10 =	sld [smem:$0x3FBA]  }
0x3d: {  	_ =	shalt  }
0x3e: {  	_ =	shalt  }
0x3f: {  	_ =	shalt  }
0x40: {  	_ =	shalt  }
0x41: {  	_ =	shalt  }
0x42: {  	_ =	shalt  }
0x43: {  	_ =	shalt  }
0x44: {  	_ =	shalt  }
0x45: {  	_ =	shalt  }
0x46: {  	_ =	shalt  }
0x47: {  	_ =	shalt  }
0x48: {  	_ =	shalt  }
0x49: {  	_ =	shalt  }
0x4a: {  	_ =	shalt  }
0x4b: {  	_ =	shalt  }
0x4c: {  	_ =	shalt  }
0x4d: {  	_ =	shalt  }
0x4e: {  	_ =	shalt  }
0x4f: {  	_ =	shalt  }
0x50: {  	_ =	shalt  }
0x51: {  	_ =	shalt  }
0x52: {  	_ =	shalt  }
0x53: {  	_ =	shalt  }
0x54: {  	_ =	shalt  }
0x55: {  	_ =	shalt  }
0x56: {  	_ =	shalt  }
0x57: {  	_ =	shalt  }
0x58: {  	_ =	shalt  }
0x59: {  	_ =	shalt  }
0x5a: {  	_ =	shalt  }
0x5b: {  	_ =	shalt  }
0x5c: {  	_ =	shalt  }
0x5d: {  	_ =	shalt  }
0x5e: {  	_ =	shalt  }
0x5f: {  	_ =	shalt  }
0x60: {  	_ =	shalt  }
0x61: {  	_ =	shalt  }
0x62: {  	_ =	shalt  }
0x63: {  	_ =	shalt  }
0x64: {  	_ =	shalt  }
0x65: {  	_ =	shalt  }
0x66: {  	_ =	shalt  }
0x67: {  	_ =	shalt  }
0x68: {  	_ =	shalt  }
0x69: {  	_ =	shalt  }
0x6a: {  	_ =	shalt  }
0x6b: {  	_ =	shalt  }
0x6c: {  	_ =	shalt  }
0x6d: {  	_ =	shalt  }
0x6e: {  	_ =	shalt  }
0x6f: {  	_ =	shalt  }
0x70: {  	_ =	shalt  }
0x71: {  	_ =	shalt  }
0x72: {  	_ =	shalt  }
0x73: {  	_ =	shalt  }
0x74: {  	_ =	shalt  }
0x75: {  	_ =	shalt  }
0x76: {  	_ =	shalt  }
0x77: {  	_ =	shalt  }
0x78: {  	_ =	shalt  }
0x79: {  	_ =	shalt  }
0x7a: {  	_ =	shalt  }
0x7b: {  	_ =	shalt  }
0x7c: {  	_ =	shalt  }
0x7d: {  	_ =	shalt  }
0x7e: {  	_ =	shalt  }
0x7f: {  	_ =	shalt  }
0x80: {  	_ =	shalt  }
0x81: {  	_ =	shalt  }
0x82: {  	_ =	shalt  }
0x83: {  	_ =	shalt  }
0x84: {  	_ =	shalt  }
0x85: {  	_ =	shalt  }
0x86: {  	_ =	shalt  }
0x87: {  	_ =	shalt  }
.Lfunc_end0:
.L_simem_size_0:
called_computation.1_lowered:
.L_overlay_start_0:
0x88: {  	s2 =	sld [smem:$0x3FD9]  }
0x89: {  	s3 =	sld [smem:$0x3FFE];
	_ =	sdelay $0x1  }
0x8a: {  	s1 =	srdreg.scid  }
0x8b: {  	s0 =	sand.u32 $0x1, s1  }
0x8c: {  	s17 =	sshll.u32 s0, $0xA;
	s2 =	sadd.s32 s3, s2  }
0x8d: {  	s2 =	sadd.s32 s2, s17  }
0x8e: {  	[smem:$0x3FC6] =	sst s2  }
0x8f: {  	_ = 	snop  }
0x90: {  	(tm) =	ssettm $0x1  }
0x91: {  	s18 =	sld [smem:$0x3FFB];
	_ =	sdelay $0x3  }
0x92: {  	_ =	strace s18  }
0x93: {  	s2 =	sld [smem:$0x3FFC];
	_ =	sdelay $0x3  }
0x94: {  	_ =	strace s2  }
0x95: {  	s2 =	sld [smem:$0x3FFD];
	_ =	sdelay $0x3  }
0x96: {  	_ =	strace s2  }
0x97: {  	_ =	strace $0x8FFFFFFF  }
0x98: {  	s19 =	sld [smem:$0x3FDB];
	_ =	sdelay $0x1  }
0x99: {  	s20 =	simm.s32 $_scs_section_size  }
0x9a: {  	s4 =	simm.s32 $_size__tile_overlayer_lowered;
	s5 =	simm.s32 $_tile_overlayer_lowered  }
0x9b: {  	s6 =	simm.s32 $0x1BFF;
	s21 =	sshll.u32 s5, $0x1;
	s3 =	sadd.s32 s20, s19  }
0x9c: {  	s22 =	simm.s32 $0x0;
	s4 =	sshll.u32 s4, $0x1;
	s5 =	sadd.s32 s21, s3  }
0x9d: {  	[timem:s22], [sflag:s6] =	dma.local [hbm:s5], s4  }
0x9e: {  	_ =	swait.ge [sflag:s6], s4  }
0x9f: {  	s4 =	ssub.s32 $0x0, s4;
	[sflag:s6] =	ssyncset.done $0x0  }
0xa0: {  	[sflag:s6] =	ssyncadd.s32 s4;
	_ =	sdelay $0x1  }
0xa1: {  	s23 =	simm.s32 $0x1B8B  }
0xa2: {  	_ =	swait.ge [sflag:s23], $0x1  }
0xa3: {  	[sflag:s23] =	ssyncset.done $0x0  }
0xa4: {  	[sflag:s23] =	ssyncadd.s32 $0xFFFFFFFF  }
0xa5: {  	s4 =	sld [smem:$0x0]  }
0xa6: {  	s5 =	sand.u32 $0xFFFFFFFE, s1  }
0xa7: {  	p0 =	sne.s32 s1, s5  }
0xa8: {  	s5 =	sshll.u32 @p0 s5, $0xE  }
0xa9: {  	s5 =	sadd.s32 @p0 $0x11B8D, s5;
	s6 =	sshll.u32 @p0 s4, $0x11  }
0xaa: {  	s5 =	sor.u32 @p0 s6, s5  }
0xab: {  	[sflag:s5] =	ssyncadd.remote.s32 @p0 $0x1;
	_ =	sdelay $0x1  }
0xac: {  	s5 =	simm.s32 @p0 $0x1B8D  }
0xad: {  	_ =	swait.eq @p0 [sflag:s5], $0x1  }
0xae: {  	[sflag:s5] =	ssyncadd.s32 @p0 $0xFFFFFFFF  }
0xaf: {  	s6 =	sshll.u32 @!p0 s1, $0xE  }
0xb0: {  	s6 =	sor.u32 @!p0 $0x4000, s6;
	s5 =	simm.s32 @!p0 $0x1B8D  }
0xb1: {  	s4 =	sshll.u32 @!p0 s4, $0x11;
	s6 =	sadd.s32 @!p0 $0x11B8D, s6;
	_ =	swait.eq @!p0 [sflag:s5], $0x1  }
0xb2: {  	s4 =	sor.u32 @!p0 s4, s6;
	[sflag:s5] =	ssyncadd.s32 @!p0 $0xFFFFFFFF  }
0xb3: {  	s25 =	simm.s32 $0x1B8E;
	s24 =	sld [smem:$0x3FFE];
	[sflag:s4] =	ssyncadd.remote.s32 @!p0 $0x1  }
0xb4: {  	s26 =	simm.s32 $execute0_lowered;
	[smem:$0x3FD2] =	sst s25  }
0xb5: {  	s5 =	sshll.u32 s26, $0x1;
	_ =	strace $0x80000049;
	[dreg:$0x1] =	wrdreg $0xFFFFFFFF  }
0xb6: {  	s28 =	simm.s32 $_size_execute0_lowered;
	s3 =	sadd.s32 s3, s5;
	[dreg:$0x0] =	wrdreg $0x0  }
0xb7: {  	s5 =	sshll.u32 s28, $0x1;
	[dreg:$0x2] =	wrdreg s3  }
0xb8: {  	[dreg:$0x3] =	wrdreg s5  }
0xb9: {  	[dreg:$0x4] =	wrdreg $0xC0  }
0xba: {  	_ =	task [dreg:s22], $0x5FFFF  }
0xbb: {  	[dreg:$0x1] =	wrdreg $0xFFFFFFFF  }
0xbc: {  	[dreg:$0x0] =	wrdreg $0x60  }
0xbd: {  	[dreg:$0x2] =	wrdreg s24  }
0xbe: {  	[dreg:$0x3] =	wrdreg $0xA  }
0xbf: {  	_ =	task.clear_ibuf [dreg:s22], $0x4FFFF;
	_ =	strace $0x90000049  }
0xc0: {  	s29 =	simm.s32 $0xA;
	_ =	strace $0x8000004B  }
0xc1: {  	_ =	swait.ge [sflag:s29], $0x1  }
0xc2: {  	[sflag:s29] =	ssyncadd.s32 $0xFFFFFFFF  }
0xc3: {  	_ =	strace $0x9000004B  }
0xc4: {  	_ =	sfence  }
0xc5: {  	s30 =	sld [smem:$0x0];
	_ =	sdelay $0x2  }
0xc6: {  	s31 =	sshll.u32 s1, $0xD;
	s1 =	sshrl.u32 s1, $0x2  }
0xc7: {  	s4 =	sand.u32 $0x4000, s31;
	s1 =	sadd.s32 s1, s30  }
0xc8: {  	s0 =	sor.u32 s4, s0;
	s1 =	sshll.u32 s1, $0x11  }
0xc9: {  	s0 =	sor.u32 s1, s0  }
0xca: {  	s0 =	sadd.s32 $0x8F2B, s0  }
0xcb: {  	[sflag:s0] =	ssyncadd.remote.s32 $0x1  }
0xcc: {  	_ =	sfence.sel $0xFFFF  }
0xcd: {  	[dreg:$0x0] =	wrdreg $0xFFFFFFFF;
	(pc) =	sbr.abs _section_cstart, $3  }
0xce: {  	[dreg:$0x1] =	wrdreg $0xFFFFFFFF  }
0xcf: {  	_ =	task.clear_ibuf [dreg:s22], $0x2FFFF;
	_ =	strace $0x9FFFFFFF  }
0xd0: {  	(tm) =	ssettm $0x7FFFFFFF  }
0xd1: {  	_ =	shalt  }
tec
execute0_lowered:
.L_overlay_start_1:
0x0: {  	(tag) =	ssettag $0x1  }
0x1: {  	s0 =	rddreg [dreg:$0x0]  }
0x2: {  	s1 =	srdreg.scid;
	s8 =	stileid.u32  }
0x3: {  	s2 =	simm.s32 $0x0;
	s11 =	simm.s32 $0x640;
	s16 =	simm.s32 $0x9C40  }
0x4: {  	s17 =	simm.s32 $0x320;
	s18 =	simm.s32 $0x6;
	s19 =	simm.s32 $0xCE40  }
0x5: {  	s20 =	simm.s32 $0x3E8;
	s21 =	simm.s32 $0x10040;
	s22 =	simm.s32 $0x4B0  }
0x6: {  	s23 =	simm.s32 $0x13240;
	s24 =	simm.s32 $0x578;
	s28 =	simm.s32 $0x40  }
0x7: {  	s29 =	simm.s32 $0x80;
	s30 =	simm.s32 $0x2;
	s31 =	simm.s32 $0x4  }
0x8: {  	s1 =	sand.u32 $0x1, s1;
	s3 =	sshll.u32 s8, $0x7;
	s5 =	smul.u32 $0x64000, s8  }
0x9: {  	[smem:$0x7FF] =	sst s2;
	s7 =	sadd.s32 $0x68D600, s0;
	s8 =	smul.u32 $0xC80, s8  }
0xa: {  	s4 =	sshll.u32 s1, $0x6;
	_ =	strace $0x8000004A;
	s10 =	smul.u32 $0x640, s1  }
0xb: {  	s25 =	ssub.s32 $0x2, s1;
	s1 =	smul.u32 $0x32000, s1;
	s4 =	sor.u32 s4, s3  }
0xc: {  	s3 =	sadd.s32 $0xD600, s0;
	s9 =	sshrl.u32 s25, $0x1;
	s6 =	smul.u32 $0x19, s4  }
0xd: {  	s0 =	sadd.s32 s5, s0;
	s4 =	smul.u32 $0xC8, s4;
	s9 =	ssub.s32 s25, s9  }
.Ltmp0:
0xe: {  	s0 =	sadd.s32 s1, s0;
	s25 =	simm.s32 $0x16440;
	(pc) =	sbr.rel .LBB2_1-.Ltmp0, $4  }
0xf: {  	s1 =	sadd.s32 $0x699E00, s0;
	s0 =	simm.s32 $0x0;
	s4 =	sshrl.u32 s4, $0x3  }
0x10: {  	s26 =	sadd.s32 s7, s4;
	s4 =	sadd.s32 s7, s6;
	s7 =	sadd.s32 s8, s7  }
0x11: {  	s6 =	smax.u32 s9, $0x1;
	s9 =	simm.s32 $0x7;
	s5 =	sadd.s32 $0x64, s26  }
0x12: {  	s7 =	sadd.s32 s10, s7;
	s10 =	simm.s32 $0xC8;
	s26 =	simm.s32 $0x1  }
.LBB2_4:
0x13: {  	s0 =	sadd.s32 $0x1, s0  }
0x14: {  	p0 =	sne.s32 s0, s6  }
.Ltmp1:
0x15: {  	_ = 	snop;
	(pc) =	sbr.rel @!p0 .LBB2_5-.Ltmp1, $4  }
0x16: {  	_ = 	snop  }
0x17: {  	_ =	swait.ge [sflag:s31], $0xC800  }
0x18: {  	[sflag:s31] =	ssyncset.done $0x0  }
0x19: {  	[sflag:s31] =	ssyncadd.s32 $0xFFFF3800  }
.LBB2_1:
0x1a: {  	[tilespmem:s2], [sflag:$0x7] =	stream.linear.gather [hbm4b:s4+s2], $0x320, $0x38;
	[tilespmem:$0x19640] =	vst v63  }
0x1b: {  	_ =	swait.ge [sflag:s9], $0x320  }
0x1c: {  	[sflag:s9] =	ssyncset.done $0x0  }
0x1d: {  	[sflag:s9] =	ssyncadd.s32 $0xFFFFFCE0  }
0x1e: {  	[tilespmem:s11], [sflag:$0x1] =	stream.indirect.gather [hbm4b:s3+s10], $0x40, s2, s10, $0xb8;
	[tilespmem:$0x19640] =	vst v63  }
0x1f: {  	s8 =	simm.s32 $0x3840  }
0x20: {  	[tilespmem:s8], [sflag:$0x1] =	stream.indirect.gather [hbm4b:s3+s10], $0x40, s10, s10, $0xb8;
	[tilespmem:$0x19640] =	vst v63  }
0x21: {  	s14 =	simm.s32 $0x190;
	s12 =	simm.s32 $0x6A40  }
0x22: {  	[tilespmem:s12], [sflag:$0x1] =	stream.indirect.gather [hbm4b:s3+s10], $0x40, s14, s10, $0xb8;
	[tilespmem:$0x19640] =	vst v63  }
0x23: {  	s15 =	simm.s32 $0x258  }
0x24: {  	[tilespmem:s16], [sflag:$0x1] =	stream.indirect.gather [hbm4b:s3+s10], $0x40, s15, s10, $0xb8;
	[tilespmem:$0x19640] =	vst v63  }
0x25: {  	s8 =	smov.u32 s1;
	s12 =	simm.s32 $0x0  }
0x26: {  	[tilespmem:s17], [sflag:$0x6] =	stream.linear.gather [hbm4b:s5+s2], $0x320, $0x38;
	[tilespmem:$0x19640] =	vst v63  }
.LBB2_2:
0x27: {  	_ =	swait.ge [sflag:s18], $0x320  }
0x28: {  	p0 =	seq.s32 s12, $0x0;
	[sflag:s18] =	ssyncset.done $0x0  }
0x29: {  	s13 =	simm.s32 @!p0 $0x4;
	[sflag:s18] =	ssyncadd.s32 $0xFFFFFCE0  }
0x2a: {  	_ =	swait.ge @!p0 [sflag:s13], $0xC800  }
0x2b: {  	[sflag:s13] =	ssyncset.done @!p0 $0x0  }
0x2c: {  	[sflag:s13] =	ssyncadd.s32 @!p0 $0xFFFF3800  }
0x2d: {  	[tilespmem:s19], [sflag:$0x2] =	stream.indirect.gather [hbm4b:s3+s10], $0x40, s17, s10, $0xb8;
	[tilespmem:$0x19640] =	vst v63  }
0x2e: {  	_ = 	snop  }
0x2f: {  	[tilespmem:s21], [sflag:$0x2] =	stream.indirect.gather [hbm4b:s3+s10], $0x40, s20, s10, $0xb8;
	[tilespmem:$0x19640] =	vst v63  }
0x30: {  	_ = 	snop  }
0x31: {  	[tilespmem:s23], [sflag:$0x2] =	stream.indirect.gather [hbm4b:s3+s10], $0x40, s22, s10, $0xb8;
	[tilespmem:$0x19640] =	vst v63  }
0x32: {  	_ = 	snop  }
0x33: {  	[tilespmem:s25], [sflag:$0x2] =	stream.indirect.gather [hbm4b:s3+s10], $0x40, s24, s10, $0xb8;
	[tilespmem:$0x19640] =	vst v63  }
0x34: {  	_ =	swait.ge [sflag:s26], $0x3200  }
0x35: {  	[sflag:s26] =	ssyncset.done $0x0  }
0x36: {  	[sflag:s26] =	ssyncadd.s32 $0xFFFFCE00  }
0x37: {  	_ =	swait.ge [sflag:s26], $0x3200  }
0x38: {  	[sflag:s26] =	ssyncset.done $0x0  }
0x39: {  	[sflag:s26] =	ssyncadd.s32 $0xFFFFCE00  }
0x3a: {  	_ =	swait.ge [sflag:s26], $0x3200  }
0x3b: {  	[sflag:s26] =	ssyncset.done $0x0  }
0x3c: {  	[sflag:s26] =	ssyncadd.s32 $0xFFFFCE00  }
0x3d: {  	_ =	swait.ge [sflag:s26], $0x3200  }
0x3e: {  	p0 =	seq.s32 s12, $0x578;
	[sflag:s26] =	ssyncset.done $0x0  }
0x3f: {  	s13 =	sadd.s32 @!p0 s12, s7;
	[sflag:s26] =	ssyncadd.s32 $0xFFFFCE00  }
0x40: {  	[hbm4b:s8+s28] =	stream.strided.scatter [tilespmem:s11], [sflag:$0x3], $0xC800, s29, s28, $0x38;
	[tilespmem:$0x19640] =	vst v63  }
0x41: {  	s14 =	simm.s32 @!p0 $0x0;
	s13 =	sadd.s32 @!p0 $0xC8, s13  }
0x42: {  	[tilespmem:s14], [sflag:$0x5] =	stream.linear.gather @!p0 [hbm4b:s13+s14], $0x320, $0x38;
	[tilespmem:$0x19640] =	vst v63  }
0x43: {  	s13 =	simm.s32 @!p0 $0x5  }
0x44: {  	_ =	swait.ge @!p0 [sflag:s13], $0x320  }
0x45: {  	[sflag:s13] =	ssyncset.done @!p0 $0x0  }
0x46: {  	[sflag:s13] =	ssyncadd.s32 @!p0 $0xFFFFFCE0;
	s13 =	simm.s32 @!p0 $0x3  }
0x47: {  	_ =	swait.ge @!p0 [sflag:s13], $0xC800  }
0x48: {  	[sflag:s13] =	ssyncset.done @!p0 $0x0  }
0x49: {  	s15 =	simm.s32 @!p0 $0x640;
	[sflag:s13] =	ssyncadd.s32 @!p0 $0xFFFF3800;
	s13 =	simm.s32 @!p0 $0xC8  }
0x4a: {  	[tilespmem:s15], [sflag:$0x1] =	stream.indirect.gather @!p0 [hbm4b:s3+s13], $0x40, s14, s13, $0xb8;
	[tilespmem:$0x19640] =	vst v63  }
0x4b: {  	s14 =	simm.s32 @!p0 $0x3840  }
0x4c: {  	[tilespmem:s14], [sflag:$0x1] =	stream.indirect.gather @!p0 [hbm4b:s3+s13], $0x40, s13, s13, $0xb8;
	[tilespmem:$0x19640] =	vst v63  }
0x4d: {  	s15 =	simm.s32 @!p0 $0x6A40;
	s14 =	simm.s32 @!p0 $0x190  }
0x4e: {  	[tilespmem:s15], [sflag:$0x1] =	stream.indirect.gather @!p0 [hbm4b:s3+s13], $0x40, s14, s13, $0xb8;
	[tilespmem:$0x19640] =	vst v63  }
0x4f: {  	s14 =	simm.s32 @!p0 $0x258;
	s15 =	simm.s32 @!p0 $0x9C40  }
0x50: {  	[tilespmem:s15], [sflag:$0x1] =	stream.indirect.gather @!p0 [hbm4b:s3+s13], $0x40, s14, s13, $0xb8;
	[tilespmem:$0x19640] =	vst v63  }
0x51: {  	_ =	swait.ge [sflag:s30], $0x3200  }
0x52: {  	[sflag:s30] =	ssyncset.done $0x0  }
0x53: {  	[sflag:s30] =	ssyncadd.s32 $0xFFFFCE00  }
0x54: {  	_ =	swait.ge [sflag:s30], $0x3200  }
0x55: {  	[sflag:s30] =	ssyncset.done $0x0  }
0x56: {  	[sflag:s30] =	ssyncadd.s32 $0xFFFFCE00  }
0x57: {  	_ =	swait.ge [sflag:s30], $0x3200  }
0x58: {  	[sflag:s30] =	ssyncset.done $0x0  }
.Ltmp2:
0x59: {  	[sflag:s30] =	ssyncadd.s32 $0xFFFFCE00;
	(pc) =	sbr.rel @p0 .LBB2_4-.Ltmp2, $4  }
0x5a: {  	_ =	swait.ge [sflag:s30], $0x3200  }
0x5b: {  	[sflag:s30] =	ssyncset.done $0x0  }
0x5c: {  	s15 =	sadd.s32 $0x3200, s8;
	[sflag:s30] =	ssyncadd.s32 $0xFFFFCE00  }
0x5d: {  	[hbm4b:s15+s28] =	stream.strided.scatter [tilespmem:s19], [sflag:$0x4], $0xC800, s29, s28, $0x38;
	[tilespmem:$0x19640] =	vst v63  }
.Ltmp3:
0x5e: {  	(pc) =	sbr.rel .LBB2_2-.Ltmp3, $4  }
0x5f: {  	_ = 	snop  }
0x60: {  	s13 =	sadd.s32 s12, s7  }
0x61: {  	s12 =	sadd.s32 $0xC8, s12;
	s8 =	sadd.s32 $0x6400, s8;
	s13 =	sadd.s32 $0x12C, s13  }
0x62: {  	[tilespmem:s17], [sflag:$0x6] =	stream.linear.gather [hbm4b:s13+s2], $0x320, $0x38;
	[tilespmem:$0x19640] =	vst v63  }
.LBB2_5:
0x63: {  	_ =	sfence.sel $0x180000  }
0x64: {  	[bflag:$0x0] =	sbarrier.arrive $0xFFFF  }
0x65: {  	_ =	strace $0x9000004A  }
0x66: {  	s0 =	stileid.u32;
	[bflag:$0x2] =	sbarrier.arrive $0xFFFF  }
0x67: {  	p0 =	sne.s32 s0, $0x0;
	s0 =	rddreg [dreg:$0x1]  }
0x68: {  	s0 =	sadd.s32 @!p0 $0x100000, s0  }
0x69: {  	[sflag:s0] =	ssyncadd.tile.s32 @!p0 $0x1;
	_ =	shalt  }
.Lfunc_end2:
_tile_overlayer_lowered:
.L_overlay_start_2:
0x6a: {  	(tag) =	ssettag $0x2  }
0x6b: {  	s0 =	rddreg [dreg:$0x0];
	s2 =	stileid.u32  }
0x6c: {  	s1 =	rddreg [dreg:$0x1];
	p0 =	sne.s32 s2, $0x0  }
0x6d: {  	s3 =	rddreg [dreg:$0x2];
	[bflag:$0x3] =	sbarrier.arrive $0xFFFF;
	s2 =	simm.s32 @!p0 $0x1C07  }
0x6e: {  	[timem:s3], [sflag:s2] =	dma.local @!p0 [hbm:s0], s1  }
0x6f: {  	s0 =	simm.s32 @!p0 $0x7  }
0x70: {  	_ =	swait.ge @!p0 [sflag:s0], s1  }
0x71: {  	s1 =	ssub.s32 @!p0 $0x0, s1;
	[sflag:s0] =	ssyncset.done @!p0 $0x0  }
0x72: {  	[sflag:s0] =	ssyncadd.s32 @!p0 s1  }
0x73: {  	[bflag:$0x3] =	sbarrier.arrive $0xFFFF  }
0x74: {  	_ =	shalt  }

</sc_bundles>
